<compile_context>
chip_gen: v7x
topology: tpu7x:2x2x1
jax: 0.10.2.dev20260603
libtpu: 0.0.44.dev20260713+nightly
codegen_flags: <defaults>
</compile_context>

<pallas_src>
import functools

import jax
import jax.numpy as jnp
from jax import lax
from jax.experimental import pallas as pl
from jax.experimental.pallas import tpu as pltpu
from jax.experimental.pallas import tpu_sc as plsc

N = 10000
E = 320000
D = 128
H = 64
HD = D // 2

NUM_CORES = 2
NUM_SUBCORES = 16

CHUNK = 128
NBUF = 4
TCHUNKS = 160
NPHASE = 4
PCHUNKS = TCHUNKS // NPHASE
PGROUPS = PCHUNKS // NBUF
EDGES_PER_TILE = TCHUNKS * CHUNK
E_PAD = EDGES_PER_TILE * NUM_SUBCORES
N_ACC = 10112
INIT_ROWS = N_ACC // NUM_SUBCORES
OUT_ROWS = 624
OUT_TAIL = N - NUM_SUBCORES * OUT_ROWS


def _sc_aggregate():
    mesh = plsc.VectorSubcoreMesh(core_axis_name="c", subcore_axis_name="s")

    @functools.partial(
        pl.kernel,
        mesh=mesh,
        compiler_params=pltpu.CompilerParams(use_tc_tiling_on_sc=False),
        out_type=jax.ShapeDtypeStruct((NUM_CORES * N, HD), jnp.float32),
        scratch_types=[
            pltpu.VMEM((PCHUNKS, CHUNK), jnp.int32),
            pltpu.VMEM((PCHUNKS, CHUNK), jnp.int32),
            pltpu.VMEM((NBUF, CHUNK, HD), jnp.float32),
            pltpu.VMEM_SHARED((N, HD), jnp.float32),
            pltpu.VMEM_SHARED((N_ACC, HD), jnp.float32),
            [pltpu.SemaphoreType.DMA] * NBUF,
            [pltpu.SemaphoreType.DMA] * NBUF,
        ],
    )
    def sc_agg(xh_hbm, src_hbm, dst_hbm, zeros_hbm, out_hbm,
               src_v, dst_v, rows_v, xs, acc, gsems, ssems):
        c = lax.axis_index("c")
        s = lax.axis_index("s")

        pltpu.sync_copy(xh_hbm.at[pl.ds(c * N + s * OUT_ROWS, OUT_ROWS)],
                        xs.at[pl.ds(s * OUT_ROWS, OUT_ROWS)])
        pltpu.sync_copy(zeros_hbm.at[pl.ds(s * INIT_ROWS, INIT_ROWS)],
                        acc.at[pl.ds(s * INIT_ROWS, INIT_ROWS)])

        @pl.when(s == 0)
        def _():
            tail = NUM_SUBCORES * OUT_ROWS
            pltpu.sync_copy(xh_hbm.at[pl.ds(c * N + tail, OUT_TAIL)],
                            xs.at[pl.ds(tail, OUT_TAIL)])

        plsc.subcore_barrier()

        def fire_gather(i, b):
            pltpu.async_copy(xs.at[src_v.at[i]], rows_v.at[b], gsems[b])

        def fire_scatter(i, b):
            pltpu.async_copy(rows_v.at[b], acc.at[dst_v.at[i]], ssems[b],
                             add=True)

        def wait_gather(b):
            pltpu.make_async_copy(
                xh_hbm.at[pl.ds(0, CHUNK)], rows_v.at[b], gsems[b]).wait()

        def wait_scatter(b):
            pltpu.make_async_copy(
                rows_v.at[b], acc.at[pl.ds(0, CHUNK)], ssems[b]).wait()

        def run_phase(ph, carry):
            base = s * TCHUNKS + ph * PCHUNKS
            pltpu.sync_copy(src_hbm.at[pl.ds(base, PCHUNKS)], src_v)
            pltpu.sync_copy(dst_hbm.at[pl.ds(base, PCHUNKS)], dst_v)

            for b in range(NBUF):
                fire_gather(b, b)

            def body(g, carry2):
                i0 = g * NBUF
                for b in range(NBUF):
                    wait_gather(b)
                    fire_scatter(i0 + b, b)
                for b in range(NBUF):
                    wait_scatter(b)
                    fire_gather(i0 + NBUF + b, b)
                return carry2

            lax.fori_loop(0, PGROUPS - 1, body, 0)

            i0 = (PGROUPS - 1) * NBUF
            for b in range(NBUF):
                wait_gather(b)
                fire_scatter(i0 + b, b)
            for b in range(NBUF):
                wait_scatter(b)
            return carry

        lax.fori_loop(0, NPHASE, run_phase, 0)
        plsc.subcore_barrier()

        pltpu.sync_copy(
            acc.at[pl.ds(s * OUT_ROWS, OUT_ROWS)],
            out_hbm.at[pl.ds(c * N + s * OUT_ROWS, OUT_ROWS)])

        @pl.when(s == 0)
        def _():
            tail = NUM_SUBCORES * OUT_ROWS
            pltpu.sync_copy(
                acc.at[pl.ds(tail, OUT_TAIL)],
                out_hbm.at[pl.ds(c * N + tail, OUT_TAIL)])

    return sc_agg


_SC_AGG = _sc_aggregate()


def _mlp_body(x_ref, pl_ref, pr_ref, eps_ref,
              w1_ref, b1_ref, g1_ref, bt1_ref,
              w2_ref, b2_ref, g2_ref, bt2_ref,
              w3_ref, b3_ref, out_ref):
    scale = 2.0 + eps_ref[0, 0]
    agg = jnp.concatenate([pl_ref[...], pr_ref[...]], axis=-1)
    v = scale * x_ref[...] + agg

    h = jnp.dot(v, w1_ref[...], preferred_element_type=jnp.float32)
    h = h + b1_ref[...]
    m = jnp.mean(h, axis=-1, keepdims=True)
    d = h - m
    var = jnp.mean(d * d, axis=-1, keepdims=True)
    h = d * lax.rsqrt(var + 1e-5) * g1_ref[...] + bt1_ref[...]
    h = jnp.maximum(h, 0.0)

    h = jnp.dot(h, w2_ref[...], preferred_element_type=jnp.float32)
    h = h + b2_ref[...]
    m = jnp.mean(h, axis=-1, keepdims=True)
    d = h - m
    var = jnp.mean(d * d, axis=-1, keepdims=True)
    h = d * lax.rsqrt(var + 1e-5) * g2_ref[...] + bt2_ref[...]
    h = jnp.maximum(h, 0.0)

    h = jnp.dot(h, w3_ref[...], preferred_element_type=jnp.float32)
    out_ref[...] = h + b3_ref[...]


def _run_mlp(x, parts, eps, W1, b1, g1, bt1, W2, b2, g2, bt2, W3, b3):
    rows = 1000
    nblk = N // rows
    grid = (nblk,)
    row_spec = pl.BlockSpec((rows, D), lambda i: (i, 0))
    left_spec = pl.BlockSpec((rows, HD), lambda i: (i, 0))
    right_spec = pl.BlockSpec((rows, HD), lambda i: (nblk + i, 0))

    def full(shape):
        return pl.BlockSpec(shape, lambda i: tuple(0 for _ in shape))

    return pl.pallas_call(
        _mlp_body,
        grid=grid,
        in_specs=[
            row_spec, left_spec, right_spec,
            pl.BlockSpec(memory_space=pltpu.SMEM),
            full((D, H)), full((1, H)), full((1, H)), full((1, H)),
            full((H, H)), full((1, H)), full((1, H)), full((1, H)),
            full((H, D)), full((1, D)),
        ],
        out_specs=row_spec,
        out_shape=jax.ShapeDtypeStruct((N, D), jnp.float32),
    )(x, parts, parts, eps.reshape(1, 1),
      W1, b1.reshape(1, H), g1.reshape(1, H), bt1.reshape(1, H),
      W2, b2.reshape(1, H), g2.reshape(1, H), bt2.reshape(1, H),
      W3, b3.reshape(1, D))


def kernel(x, edge_index, eps, W1, b1, g1, bt1, W2, b2, g2, bt2, W3, b3):
    src = edge_index[0]
    dst = edge_index[1]
    pad = E_PAD - E
    src_p = jnp.concatenate([src, jnp.zeros((pad,), jnp.int32)])
    dst_p = jnp.concatenate([dst, jnp.full((pad,), N, jnp.int32)])
    src_t = src_p.reshape(NUM_SUBCORES * TCHUNKS, CHUNK)
    dst_t = dst_p.reshape(NUM_SUBCORES * TCHUNKS, CHUNK)
    xh = jnp.concatenate([x[:, :HD], x[:, HD:]], axis=0)
    zeros = jnp.zeros((N_ACC, HD), jnp.float32)

    parts = _SC_AGG(xh, src_t, dst_t, zeros)

    return _run_mlp(x, parts, eps,
                    W1, b1, g1, bt1, W2, b2, g2, bt2, W3, b3)

# --- scband reference (transcript-rebuilt; emitter-appended) ---
"""Pipeline reference for scband-ginconv-82987358093445 (READ-ONLY COPY).

The authoritative reference and input builder live on the scoring server;
editing this copy changes nothing except your own understanding.
"""

import jax, jax.numpy as jnp
import numpy as np

N = 10000
E = 320000
D = 128
H = 64


def _layer_norm(v, g, b):
    m = jnp.mean(v, axis=-1, keepdims=True)
    var = jnp.var(v, axis=-1, keepdims=True)
    return (v - m) / jnp.sqrt(var + 1e-5) * g + b


def setup_inputs(seed: int = 0) -> dict:
    key = jax.random.key(seed)
    ks = jax.random.split(key, 14)
    x = jax.random.normal(ks[0], (N, D), dtype=jnp.float32)
    edge_index = jax.random.randint(ks[1], (2, E), 0, N, dtype=jnp.int32)
    # learnable eps (scalar), init 0.0
    eps = jnp.zeros((), dtype=jnp.float32)
    # MLP: Linear(128->64) + LayerNorm(64) + ReLU + Linear(64->64) + LayerNorm(64) + ReLU + Linear(64->128)
    # kaiming_uniform-like init bound = sqrt(6 / fan_in) scaled
    b1lim = 1.0 / np.sqrt(D)
    W1 = jax.random.uniform(ks[2], (D, H), minval=-b1lim, maxval=b1lim, dtype=jnp.float32)
    b1 = jnp.zeros((H,), dtype=jnp.float32)
    g1 = jnp.ones((H,), dtype=jnp.float32)
    bt1 = jnp.zeros((H,), dtype=jnp.float32)
    b2lim = 1.0 / np.sqrt(H)
    W2 = jax.random.uniform(ks[3], (H, H), minval=-b2lim, maxval=b2lim, dtype=jnp.float32)
    b2 = jnp.zeros((H,), dtype=jnp.float32)
    g2 = jnp.ones((H,), dtype=jnp.float32)
    bt2 = jnp.zeros((H,), dtype=jnp.float32)
    W3 = jax.random.uniform(ks[4], (H, D), minval=-b2lim, maxval=b2lim, dtype=jnp.float32)
    b3 = jnp.zeros((D,), dtype=jnp.float32)
    return {
        "x": x, "edge_index": edge_index, "eps": eps,
        "W1": W1, "b1": b1, "g1": g1, "bt1": bt1,
        "W2": W2, "b2": b2, "g2": g2, "bt2": bt2,
        "W3": W3, "b3": b3,
    }


def reference(x, edge_index, eps, W1, b1, g1, bt1, W2, b2, g2, bt2, W3, b3):
    n = x.shape[0]
    # add self loops
    i = jnp.arange(n, dtype=edge_index.dtype)
    ei = jnp.concatenate([edge_index, jnp.stack([i, i], axis=0)], axis=1)
    src, dst = ei[0], ei[1]
    # message = gather of source node features
    msg = jnp.take(x, src, axis=0)
    # sum aggregation into destination nodes (scatter-add)
    agg = jnp.zeros_like(x).at[dst].add(msg)
    out = (1.0 + eps) * x + agg
    # MLP head
    h = out @ W1 + b1
    h = _layer_norm(h, g1, bt1)
    h = jax.nn.relu(h)
    h = h @ W2 + b2
    h = _layer_norm(h, g2, bt2)
    h = jax.nn.relu(h)
    h = h @ W3 + b3
    return h

if __name__ == "__main__":
    import jax
    _d = setup_inputs()
    print(jax.jit(kernel)(*tuple(_d.values())))

</pallas_src>

<mosaic_0001>
#map = affine_map<(d0, d1) -> (0, 0)>
module attributes {stable_mosaic.version = 14 : i64} {
  func.func @sc_agg(%arg0: i32, %arg1: i32, %arg2: memref<20000x64xf32, #tpu.memory_space<hbm>>, %arg3: memref<2560x128xi32, #tpu.memory_space<hbm>>, %arg4: memref<2560x128xi32, #tpu.memory_space<hbm>>, %arg5: memref<10112x64xf32, #tpu.memory_space<hbm>>, %arg6: memref<20000x64xf32, #tpu.memory_space<hbm>>, %arg7: memref<40x128xi32, #tpu.memory_space<vmem>>, %arg8: memref<40x128xi32, #tpu.memory_space<vmem>>, %arg9: memref<4x128x64xf32, #tpu.memory_space<vmem>>, %arg10: memref<10000x64xf32, #tpu.memory_space<vmem_shared>>, %arg11: memref<10112x64xf32, #tpu.memory_space<vmem_shared>>, %arg12: memref<!tpu.dma_semaphore, #tpu.memory_space<semaphore_mem>>, %arg13: memref<!tpu.dma_semaphore, #tpu.memory_space<semaphore_mem>>, %arg14: memref<!tpu.dma_semaphore, #tpu.memory_space<semaphore_mem>>, %arg15: memref<!tpu.dma_semaphore, #tpu.memory_space<semaphore_mem>>, %arg16: memref<!tpu.dma_semaphore, #tpu.memory_space<semaphore_mem>>, %arg17: memref<!tpu.dma_semaphore, #tpu.memory_space<semaphore_mem>>, %arg18: memref<!tpu.dma_semaphore, #tpu.memory_space<semaphore_mem>>, %arg19: memref<!tpu.dma_semaphore, #tpu.memory_space<semaphore_mem>>) attributes {dimension_semantics = [#tpu.dimension_semantics<core_parallel>, #tpu.dimension_semantics<subcore_parallel>], iteration_bounds = array<i64: 2, 16>, scalar_prefetch = 0 : i64, scratch_operands = 13 : i64, tpu.core_type = #tpu.core_type<sc_vector_subcore>, window_params = [{transform_indices = #map}, {transform_indices = #map}, {transform_indices = #map}, {transform_indices = #map}, {transform_indices = #map}]} {
    %mul3A = arith.constant 10000 : i32
    %mul3A_0 = arith.muli %arg0, %mul3A : i32
    %mul3A_1 = arith.constant 624 : i32
    %mul3A_2 = arith.muli %arg1, %mul3A_1 : i32
    %add3A = arith.addi %mul3A_0, %mul3A_2 : i32
    %mul3A_3 = arith.constant 624 : i32
    %mul3A_4 = arith.muli %arg1, %mul3A_3 : i32
    "tpu.region"() ({
      %run_scoped3A = tpu.sem_alloc : memref<!tpu.dma_semaphore, #tpu.memory_space<semaphore_mem>>
      %dma_start3A = arith.constant 0 : i32
      %dma_start3A_29 = tpu.memref_slice %arg10[%mul3A_4, %dma_start3A] : memref<10000x64xf32, #tpu.memory_space<vmem_shared>> -> memref<624x64xf32, #tpu.memory_space<vmem_shared>>
      %dma_start3A_30 = arith.constant 0 : i32
      %dma_start3A_31 = tpu.memref_slice %arg2[%add3A, %dma_start3A_30] : memref<20000x64xf32, #tpu.memory_space<hbm>> -> memref<624x64xf32, #tpu.memory_space<hbm>>
      tpu.enqueue_dma source(%dma_start3A_31 : memref<624x64xf32, #tpu.memory_space<hbm>>) target(%dma_start3A_29 : memref<624x64xf32, #tpu.memory_space<vmem_shared>>) target_semaphore(%run_scoped3A : memref<!tpu.dma_semaphore, #tpu.memory_space<semaphore_mem>>)
      %dma_wait3A = arith.constant 0 : i32
      %dma_wait3A_32 = tpu.memref_slice %arg10[%mul3A_4, %dma_wait3A] : memref<10000x64xf32, #tpu.memory_space<vmem_shared>> -> memref<624x64xf32, #tpu.memory_space<vmem_shared>>
      %dma_wait3A_33 = arith.constant 0 : i32
      %dma_wait3A_34 = tpu.memref_slice %arg2[%add3A, %dma_wait3A_33] : memref<20000x64xf32, #tpu.memory_space<hbm>> -> memref<624x64xf32, #tpu.memory_space<hbm>>
      tpu.wait_dma2 semaphore(%run_scoped3A : memref<!tpu.dma_semaphore, #tpu.memory_space<semaphore_mem>>) src(%dma_wait3A_34 : memref<624x64xf32, #tpu.memory_space<hbm>>) dst(%dma_wait3A_32 : memref<624x64xf32, #tpu.memory_space<vmem_shared>>)
      tpu.yield
    }) : () -> ()
    %mul3A_5 = arith.constant 632 : i32
    %mul3A_6 = arith.muli %arg1, %mul3A_5 : i32
    %mul3A_7 = arith.constant 632 : i32
    %mul3A_8 = arith.muli %arg1, %mul3A_7 : i32
    "tpu.region"() ({
      %run_scoped3A = tpu.sem_alloc : memref<!tpu.dma_semaphore, #tpu.memory_space<semaphore_mem>>
      %dma_start3A = arith.constant 0 : i32
      %dma_start3A_29 = tpu.memref_slice %arg11[%mul3A_8, %dma_start3A] : memref<10112x64xf32, #tpu.memory_space<vmem_shared>> -> memref<632x64xf32, #tpu.memory_space<vmem_shared>>
      %dma_start3A_30 = arith.constant 0 : i32
      %dma_start3A_31 = tpu.memref_slice %arg5[%mul3A_6, %dma_start3A_30] : memref<10112x64xf32, #tpu.memory_space<hbm>> -> memref<632x64xf32, #tpu.memory_space<hbm>>
      tpu.enqueue_dma source(%dma_start3A_31 : memref<632x64xf32, #tpu.memory_space<hbm>>) target(%dma_start3A_29 : memref<632x64xf32, #tpu.memory_space<vmem_shared>>) target_semaphore(%run_scoped3A : memref<!tpu.dma_semaphore, #tpu.memory_space<semaphore_mem>>)
      %dma_wait3A = arith.constant 0 : i32
      %dma_wait3A_32 = tpu.memref_slice %arg11[%mul3A_8, %dma_wait3A] : memref<10112x64xf32, #tpu.memory_space<vmem_shared>> -> memref<632x64xf32, #tpu.memory_space<vmem_shared>>
      %dma_wait3A_33 = arith.constant 0 : i32
      %dma_wait3A_34 = tpu.memref_slice %arg5[%mul3A_6, %dma_wait3A_33] : memref<10112x64xf32, #tpu.memory_space<hbm>> -> memref<632x64xf32, #tpu.memory_space<hbm>>
      tpu.wait_dma2 semaphore(%run_scoped3A : memref<!tpu.dma_semaphore, #tpu.memory_space<semaphore_mem>>) src(%dma_wait3A_34 : memref<632x64xf32, #tpu.memory_space<hbm>>) dst(%dma_wait3A_32 : memref<632x64xf32, #tpu.memory_space<vmem_shared>>)
      tpu.yield
    }) : () -> ()
    %eq3A = arith.constant 0 : i32
    %eq3A_9 = arith.cmpi eq, %arg1, %eq3A : i32
    %convert_element_type3A = arith.extui %eq3A_9 : i1 to i32
    %cond3A = arith.constant 0 : i32
    %cond3A_10 = arith.cmpi ne, %convert_element_type3A, %cond3A : i32
    scf.if %cond3A_10 {
      %mul3A_29 = arith.constant 10000 : i32
      %mul3A_30 = arith.muli %arg0, %mul3A_29 : i32
      %add3A_31 = arith.constant 9984 : i32
      %add3A_32 = arith.addi %mul3A_30, %add3A_31 : i32
      "tpu.region"() ({
        %run_scoped3A = tpu.sem_alloc : memref<!tpu.dma_semaphore, #tpu.memory_space<semaphore_mem>>
        %dma_start3A = arith.constant 9984 : i32
        %dma_start3A_33 = arith.constant 0 : i32
        %dma_start3A_34 = tpu.memref_slice %arg10[%dma_start3A, %dma_start3A_33] : memref<10000x64xf32, #tpu.memory_space<vmem_shared>> -> memref<16x64xf32, #tpu.memory_space<vmem_shared>>
        %dma_start3A_35 = arith.constant 0 : i32
        %dma_start3A_36 = tpu.memref_slice %arg2[%add3A_32, %dma_start3A_35] : memref<20000x64xf32, #tpu.memory_space<hbm>> -> memref<16x64xf32, #tpu.memory_space<hbm>>
        tpu.enqueue_dma source(%dma_start3A_36 : memref<16x64xf32, #tpu.memory_space<hbm>>) target(%dma_start3A_34 : memref<16x64xf32, #tpu.memory_space<vmem_shared>>) target_semaphore(%run_scoped3A : memref<!tpu.dma_semaphore, #tpu.memory_space<semaphore_mem>>)
        %dma_wait3A = arith.constant 9984 : i32
        %dma_wait3A_37 = arith.constant 0 : i32
        %dma_wait3A_38 = tpu.memref_slice %arg10[%dma_wait3A, %dma_wait3A_37] : memref<10000x64xf32, #tpu.memory_space<vmem_shared>> -> memref<16x64xf32, #tpu.memory_space<vmem_shared>>
        %dma_wait3A_39 = arith.constant 0 : i32
        %dma_wait3A_40 = tpu.memref_slice %arg2[%add3A_32, %dma_wait3A_39] : memref<20000x64xf32, #tpu.memory_space<hbm>> -> memref<16x64xf32, #tpu.memory_space<hbm>>
        tpu.wait_dma2 semaphore(%run_scoped3A : memref<!tpu.dma_semaphore, #tpu.memory_space<semaphore_mem>>) src(%dma_wait3A_40 : memref<16x64xf32, #tpu.memory_space<hbm>>) dst(%dma_wait3A_38 : memref<16x64xf32, #tpu.memory_space<vmem_shared>>)
        tpu.yield
      }) : () -> ()
    } else {
    }
    %barrier3A = arith.constant 0 : index
    tpu.barrier barrier_id(%barrier3A)
    %scan3A = arith.constant 0 : i32
    %scan3A_11 = arith.constant 0 : i32
    %scan3A_12 = arith.constant 4 : i32
    %scan3A_13 = arith.addi %scan3A_11, %scan3A_12 : i32
    %scan3A_14 = arith.constant 1 : i32
    scf.for %scan3A_29 = %scan3A_11 to %scan3A_13 step %scan3A_14  : i32 {
      %mul3A_30 = arith.constant 160 : i32
      %mul3A_31 = arith.muli %arg1, %mul3A_30 : i32
      %mul3A_32 = arith.constant 40 : i32
      %mul3A_33 = arith.muli %scan3A_29, %mul3A_32 : i32
      %add3A_34 = arith.addi %mul3A_31, %mul3A_33 : i32
      "tpu.region"() ({
        %run_scoped3A = tpu.sem_alloc : memref<!tpu.dma_semaphore, #tpu.memory_space<semaphore_mem>>
        %dma_start3A_255 = arith.constant 0 : i32
        %dma_start3A_256 = tpu.memref_slice %arg3[%add3A_34, %dma_start3A_255] : memref<2560x128xi32, #tpu.memory_space<hbm>> -> memref<40x128xi32, #tpu.memory_space<hbm>>
        %dma_start3A_257 = arith.constant 0 : i32
        %dma_start3A_258 = tpu.memref_slice %arg3[%add3A_34, %dma_start3A_257] : memref<2560x128xi32, #tpu.memory_space<hbm>> -> memref<40x128xi32, #tpu.memory_space<hbm>>
        tpu.enqueue_dma source(%dma_start3A_258 : memref<40x128xi32, #tpu.memory_space<hbm>>) target(%arg7 : memref<40x128xi32, #tpu.memory_space<vmem>>) target_semaphore(%run_scoped3A : memref<!tpu.dma_semaphore, #tpu.memory_space<semaphore_mem>>)
        %dma_wait3A_259 = arith.constant 0 : i32
        %dma_wait3A_260 = tpu.memref_slice %arg3[%add3A_34, %dma_wait3A_259] : memref<2560x128xi32, #tpu.memory_space<hbm>> -> memref<40x128xi32, #tpu.memory_space<hbm>>
        %dma_wait3A_261 = arith.constant 0 : i32
        %dma_wait3A_262 = tpu.memref_slice %arg3[%add3A_34, %dma_wait3A_261] : memref<2560x128xi32, #tpu.memory_space<hbm>> -> memref<40x128xi32, #tpu.memory_space<hbm>>
        tpu.wait_dma2 semaphore(%run_scoped3A : memref<!tpu.dma_semaphore, #tpu.memory_space<semaphore_mem>>) src(%dma_wait3A_262 : memref<40x128xi32, #tpu.memory_space<hbm>>) dst(%arg7 : memref<40x128xi32, #tpu.memory_space<vmem>>)
        tpu.yield
      }) : () -> ()
      "tpu.region"() ({
        %run_scoped3A = tpu.sem_alloc : memref<!tpu.dma_semaphore, #tpu.memory_space<semaphore_mem>>
        %dma_start3A_255 = arith.constant 0 : i32
        %dma_start3A_256 = tpu.memref_slice %arg4[%add3A_34, %dma_start3A_255] : memref<2560x128xi32, #tpu.memory_space<hbm>> -> memref<40x128xi32, #tpu.memory_space<hbm>>
        %dma_start3A_257 = arith.constant 0 : i32
        %dma_start3A_258 = tpu.memref_slice %arg4[%add3A_34, %dma_start3A_257] : memref<2560x128xi32, #tpu.memory_space<hbm>> -> memref<40x128xi32, #tpu.memory_space<hbm>>
        tpu.enqueue_dma source(%dma_start3A_258 : memref<40x128xi32, #tpu.memory_space<hbm>>) target(%arg8 : memref<40x128xi32, #tpu.memory_space<vmem>>) target_semaphore(%run_scoped3A : memref<!tpu.dma_semaphore, #tpu.memory_space<semaphore_mem>>)
        %dma_wait3A_259 = arith.constant 0 : i32
        %dma_wait3A_260 = tpu.memref_slice %arg4[%add3A_34, %dma_wait3A_259] : memref<2560x128xi32, #tpu.memory_space<hbm>> -> memref<40x128xi32, #tpu.memory_space<hbm>>
        %dma_wait3A_261 = arith.constant 0 : i32
        %dma_wait3A_262 = tpu.memref_slice %arg4[%add3A_34, %dma_wait3A_261] : memref<2560x128xi32, #tpu.memory_space<hbm>> -> memref<40x128xi32, #tpu.memory_space<hbm>>
        tpu.wait_dma2 semaphore(%run_scoped3A : memref<!tpu.dma_semaphore, #tpu.memory_space<semaphore_mem>>) src(%dma_wait3A_262 : memref<40x128xi32, #tpu.memory_space<hbm>>) dst(%arg8 : memref<40x128xi32, #tpu.memory_space<vmem>>)
        tpu.yield
      }) : () -> ()
      %dma_start3A = arith.constant 0 : i32
      %dma_start3A_35 = arith.constant 0 : i32
      %dma_start3A_36 = arith.constant 0 : i32
      %dma_start3A_37 = arith.constant 0 : i32
      %dma_start3A_38 = tpu.memref_slice %arg9[%dma_start3A_35, %dma_start3A_36, %dma_start3A_37] : memref<4x128x64xf32, #tpu.memory_space<vmem>> -> memref<1x128x64xf32, #tpu.memory_space<vmem>>
      %dma_start3A_39 = tpu.memref_squeeze %dma_start3A_38 : memref<1x128x64xf32, #tpu.memory_space<vmem>> -> memref<128x64xf32, #tpu.memory_space<vmem>>
      %dma_start3A_40 = arith.constant 0 : i32
      %dma_start3A_41 = tpu.memref_slice %arg7[%dma_start3A, %dma_start3A_40] : memref<40x128xi32, #tpu.memory_space<vmem>> -> memref<1x128xi32, #tpu.memory_space<vmem>>
      %dma_start3A_42 = tpu.memref_squeeze %dma_start3A_41 : memref<1x128xi32, #tpu.memory_space<vmem>> -> memref<128xi32, #tpu.memory_space<vmem>>
      %dma_start3A_43 = arith.constant 0 : i32
      %dma_start3A_44 = arith.constant 0 : i32
      %dma_start3A_45 = tpu.memref_slice %arg10[%dma_start3A_43, %dma_start3A_44] : memref<10000x64xf32, #tpu.memory_space<vmem_shared>> -> memref<10000x64xf32, #tpu.memory_space<vmem_shared>>
      tpu.enqueue_indirect_dma source(%dma_start3A_45 : memref<10000x64xf32, #tpu.memory_space<vmem_shared>>) target(%dma_start3A_39 : memref<128x64xf32, #tpu.memory_space<vmem>>) offsets(%dma_start3A_42 : memref<128xi32, #tpu.memory_space<vmem>>) semaphore(%arg12 : memref<!tpu.dma_semaphore, #tpu.memory_space<semaphore_mem>>)
      %dma_start3A_46 = arith.constant 1 : i32
      %dma_start3A_47 = arith.constant 1 : i32
      %dma_start3A_48 = arith.constant 0 : i32
      %dma_start3A_49 = arith.constant 0 : i32
      %dma_start3A_50 = tpu.memref_slice %arg9[%dma_start3A_47, %dma_start3A_48, %dma_start3A_49] : memref<4x128x64xf32, #tpu.memory_space<vmem>> -> memref<1x128x64xf32, #tpu.memory_space<vmem>>
      %dma_start3A_51 = tpu.memref_squeeze %dma_start3A_50 : memref<1x128x64xf32, #tpu.memory_space<vmem>> -> memref<128x64xf32, #tpu.memory_space<vmem>>
      %dma_start3A_52 = arith.constant 0 : i32
      %dma_start3A_53 = tpu.memref_slice %arg7[%dma_start3A_46, %dma_start3A_52] : memref<40x128xi32, #tpu.memory_space<vmem>> -> memref<1x128xi32, #tpu.memory_space<vmem>>
      %dma_start3A_54 = tpu.memref_squeeze %dma_start3A_53 : memref<1x128xi32, #tpu.memory_space<vmem>> -> memref<128xi32, #tpu.memory_space<vmem>>
      %dma_start3A_55 = arith.constant 0 : i32
      %dma_start3A_56 = arith.constant 0 : i32
      %dma_start3A_57 = tpu.memref_slice %arg10[%dma_start3A_55, %dma_start3A_56] : memref<10000x64xf32, #tpu.memory_space<vmem_shared>> -> memref<10000x64xf32, #tpu.memory_space<vmem_shared>>
      tpu.enqueue_indirect_dma source(%dma_start3A_57 : memref<10000x64xf32, #tpu.memory_space<vmem_shared>>) target(%dma_start3A_51 : memref<128x64xf32, #tpu.memory_space<vmem>>) offsets(%dma_start3A_54 : memref<128xi32, #tpu.memory_space<vmem>>) semaphore(%arg13 : memref<!tpu.dma_semaphore, #tpu.memory_space<semaphore_mem>>)
      %dma_start3A_58 = arith.constant 2 : i32
      %dma_start3A_59 = arith.constant 2 : i32
      %dma_start3A_60 = arith.constant 0 : i32
      %dma_start3A_61 = arith.constant 0 : i32
      %dma_start3A_62 = tpu.memref_slice %arg9[%dma_start3A_59, %dma_start3A_60, %dma_start3A_61] : memref<4x128x64xf32, #tpu.memory_space<vmem>> -> memref<1x128x64xf32, #tpu.memory_space<vmem>>
      %dma_start3A_63 = tpu.memref_squeeze %dma_start3A_62 : memref<1x128x64xf32, #tpu.memory_space<vmem>> -> memref<128x64xf32, #tpu.memory_space<vmem>>
      %dma_start3A_64 = arith.constant 0 : i32
      %dma_start3A_65 = tpu.memref_slice %arg7[%dma_start3A_58, %dma_start3A_64] : memref<40x128xi32, #tpu.memory_space<vmem>> -> memref<1x128xi32, #tpu.memory_space<vmem>>
      %dma_start3A_66 = tpu.memref_squeeze %dma_start3A_65 : memref<1x128xi32, #tpu.memory_space<vmem>> -> memref<128xi32, #tpu.memory_space<vmem>>
      %dma_start3A_67 = arith.constant 0 : i32
      %dma_start3A_68 = arith.constant 0 : i32
      %dma_start3A_69 = tpu.memref_slice %arg10[%dma_start3A_67, %dma_start3A_68] : memref<10000x64xf32, #tpu.memory_space<vmem_shared>> -> memref<10000x64xf32, #tpu.memory_space<vmem_shared>>
      tpu.enqueue_indirect_dma source(%dma_start3A_69 : memref<10000x64xf32, #tpu.memory_space<vmem_shared>>) target(%dma_start3A_63 : memref<128x64xf32, #tpu.memory_space<vmem>>) offsets(%dma_start3A_66 : memref<128xi32, #tpu.memory_space<vmem>>) semaphore(%arg14 : memref<!tpu.dma_semaphore, #tpu.memory_space<semaphore_mem>>)
      %dma_start3A_70 = arith.constant 3 : i32
      %dma_start3A_71 = arith.constant 3 : i32
      %dma_start3A_72 = arith.constant 0 : i32
      %dma_start3A_73 = arith.constant 0 : i32
      %dma_start3A_74 = tpu.memref_slice %arg9[%dma_start3A_71, %dma_start3A_72, %dma_start3A_73] : memref<4x128x64xf32, #tpu.memory_space<vmem>> -> memref<1x128x64xf32, #tpu.memory_space<vmem>>
      %dma_start3A_75 = tpu.memref_squeeze %dma_start3A_74 : memref<1x128x64xf32, #tpu.memory_space<vmem>> -> memref<128x64xf32, #tpu.memory_space<vmem>>
      %dma_start3A_76 = arith.constant 0 : i32
      %dma_start3A_77 = tpu.memref_slice %arg7[%dma_start3A_70, %dma_start3A_76] : memref<40x128xi32, #tpu.memory_space<vmem>> -> memref<1x128xi32, #tpu.memory_space<vmem>>
      %dma_start3A_78 = tpu.memref_squeeze %dma_start3A_77 : memref<1x128xi32, #tpu.memory_space<vmem>> -> memref<128xi32, #tpu.memory_space<vmem>>
      %dma_start3A_79 = arith.constant 0 : i32
      %dma_start3A_80 = arith.constant 0 : i32
      %dma_start3A_81 = tpu.memref_slice %arg10[%dma_start3A_79, %dma_start3A_80] : memref<10000x64xf32, #tpu.memory_space<vmem_shared>> -> memref<10000x64xf32, #tpu.memory_space<vmem_shared>>
      tpu.enqueue_indirect_dma source(%dma_start3A_81 : memref<10000x64xf32, #tpu.memory_space<vmem_shared>>) target(%dma_start3A_75 : memref<128x64xf32, #tpu.memory_space<vmem>>) offsets(%dma_start3A_78 : memref<128xi32, #tpu.memory_space<vmem>>) semaphore(%arg15 : memref<!tpu.dma_semaphore, #tpu.memory_space<semaphore_mem>>)
      %scan3A_82 = arith.constant 0 : i32
      %scan3A_83 = arith.constant 0 : i32
      %scan3A_84 = arith.constant 9 : i32
      %scan3A_85 = arith.addi %scan3A_83, %scan3A_84 : i32
      %scan3A_86 = arith.constant 1 : i32
      scf.for %scan3A_255 = %scan3A_83 to %scan3A_85 step %scan3A_86  : i32 {
        %mul3A_256 = arith.constant 4 : i32
        %mul3A_257 = arith.muli %scan3A_255, %mul3A_256 : i32
        %dma_wait3A_258 = arith.constant 0 : i32
        %dma_wait3A_259 = arith.constant 0 : i32
        %dma_wait3A_260 = arith.constant 0 : i32
        %dma_wait3A_261 = tpu.memref_slice %arg9[%dma_wait3A_258, %dma_wait3A_259, %dma_wait3A_260] : memref<4x128x64xf32, #tpu.memory_space<vmem>> -> memref<1x128x64xf32, #tpu.memory_space<vmem>>
        %dma_wait3A_262 = tpu.memref_squeeze %dma_wait3A_261 : memref<1x128x64xf32, #tpu.memory_space<vmem>> -> memref<128x64xf32, #tpu.memory_space<vmem>>
        %dma_wait3A_263 = arith.constant 0 : i32
        %dma_wait3A_264 = arith.constant 0 : i32
        %dma_wait3A_265 = tpu.memref_slice %arg2[%dma_wait3A_263, %dma_wait3A_264] : memref<20000x64xf32, #tpu.memory_space<hbm>> -> memref<128x64xf32, #tpu.memory_space<hbm>>
        %dma_wait3A_266 = arith.constant 0 : i32
        %dma_wait3A_267 = arith.constant 0 : i32
        %dma_wait3A_268 = tpu.memref_slice %arg9[%dma_wait3A_258, %dma_wait3A_266, %dma_wait3A_267] : memref<4x128x64xf32, #tpu.memory_space<vmem>> -> memref<1x128x64xf32, #tpu.memory_space<vmem>>
        %dma_wait3A_269 = tpu.memref_squeeze %dma_wait3A_268 : memref<1x128x64xf32, #tpu.memory_space<vmem>> -> memref<128x64xf32, #tpu.memory_space<vmem>>
        %dma_wait3A_270 = arith.constant 0 : i32
        %dma_wait3A_271 = arith.constant 0 : i32
        %dma_wait3A_272 = tpu.memref_slice %arg2[%dma_wait3A_270, %dma_wait3A_271] : memref<20000x64xf32, #tpu.memory_space<hbm>> -> memref<128x64xf32, #tpu.memory_space<hbm>>
        tpu.wait_dma2 semaphore(%arg12 : memref<!tpu.dma_semaphore, #tpu.memory_space<semaphore_mem>>) src(%dma_wait3A_272 : memref<128x64xf32, #tpu.memory_space<hbm>>) dst(%dma_wait3A_269 : memref<128x64xf32, #tpu.memory_space<vmem>>)
        %add3A_273 = arith.constant 0 : i32
        %add3A_274 = arith.addi %mul3A_257, %add3A_273 : i32
        %dma_start3A_275 = arith.constant 0 : i32
        %dma_start3A_276 = arith.constant 0 : i32
        %dma_start3A_277 = arith.constant 0 : i32
        %dma_start3A_278 = tpu.memref_slice %arg9[%dma_start3A_275, %dma_start3A_276, %dma_start3A_277] : memref<4x128x64xf32, #tpu.memory_space<vmem>> -> memref<1x128x64xf32, #tpu.memory_space<vmem>>
        %dma_start3A_279 = tpu.memref_squeeze %dma_start3A_278 : memref<1x128x64xf32, #tpu.memory_space<vmem>> -> memref<128x64xf32, #tpu.memory_space<vmem>>
        %dma_start3A_280 = arith.constant 0 : i32
        %dma_start3A_281 = tpu.memref_slice %arg8[%add3A_274, %dma_start3A_280] : memref<40x128xi32, #tpu.memory_space<vmem>> -> memref<1x128xi32, #tpu.memory_space<vmem>>
        %dma_start3A_282 = tpu.memref_squeeze %dma_start3A_281 : memref<1x128xi32, #tpu.memory_space<vmem>> -> memref<128xi32, #tpu.memory_space<vmem>>
        %dma_start3A_283 = arith.constant 0 : i32
        %dma_start3A_284 = arith.constant 0 : i32
        %dma_start3A_285 = tpu.memref_slice %arg11[%dma_start3A_283, %dma_start3A_284] : memref<10112x64xf32, #tpu.memory_space<vmem_shared>> -> memref<10112x64xf32, #tpu.memory_space<vmem_shared>>
        tpu.enqueue_indirect_dma source(%dma_start3A_279 : memref<128x64xf32, #tpu.memory_space<vmem>>) target(%dma_start3A_285 : memref<10112x64xf32, #tpu.memory_space<vmem_shared>>) offsets(%dma_start3A_282 : memref<128xi32, #tpu.memory_space<vmem>>) semaphore(%arg16 : memref<!tpu.dma_semaphore, #tpu.memory_space<semaphore_mem>>) {add = true}
        %dma_wait3A_286 = arith.constant 1 : i32
        %dma_wait3A_287 = arith.constant 0 : i32
        %dma_wait3A_288 = arith.constant 0 : i32
        %dma_wait3A_289 = tpu.memref_slice %arg9[%dma_wait3A_286, %dma_wait3A_287, %dma_wait3A_288] : memref<4x128x64xf32, #tpu.memory_space<vmem>> -> memref<1x128x64xf32, #tpu.memory_space<vmem>>
        %dma_wait3A_290 = tpu.memref_squeeze %dma_wait3A_289 : memref<1x128x64xf32, #tpu.memory_space<vmem>> -> memref<128x64xf32, #tpu.memory_space<vmem>>
        %dma_wait3A_291 = arith.constant 0 : i32
        %dma_wait3A_292 = arith.constant 0 : i32
        %dma_wait3A_293 = tpu.memref_slice %arg2[%dma_wait3A_291, %dma_wait3A_292] : memref<20000x64xf32, #tpu.memory_space<hbm>> -> memref<128x64xf32, #tpu.memory_space<hbm>>
        %dma_wait3A_294 = arith.constant 0 : i32
        %dma_wait3A_295 = arith.constant 0 : i32
        %dma_wait3A_296 = tpu.memref_slice %arg9[%dma_wait3A_286, %dma_wait3A_294, %dma_wait3A_295] : memref<4x128x64xf32, #tpu.memory_space<vmem>> -> memref<1x128x64xf32, #tpu.memory_space<vmem>>
        %dma_wait3A_297 = tpu.memref_squeeze %dma_wait3A_296 : memref<1x128x64xf32, #tpu.memory_space<vmem>> -> memref<128x64xf32, #tpu.memory_space<vmem>>
        %dma_wait3A_298 = arith.constant 0 : i32
        %dma_wait3A_299 = arith.constant 0 : i32
        %dma_wait3A_300 = tpu.memref_slice %arg2[%dma_wait3A_298, %dma_wait3A_299] : memref<20000x64xf32, #tpu.memory_space<hbm>> -> memref<128x64xf32, #tpu.memory_space<hbm>>
        tpu.wait_dma2 semaphore(%arg13 : memref<!tpu.dma_semaphore, #tpu.memory_space<semaphore_mem>>) src(%dma_wait3A_300 : memref<128x64xf32, #tpu.memory_space<hbm>>) dst(%dma_wait3A_297 : memref<128x64xf32, #tpu.memory_space<vmem>>)
        %add3A_301 = arith.constant 1 : i32
        %add3A_302 = arith.addi %mul3A_257, %add3A_301 : i32
        %dma_start3A_303 = arith.constant 1 : i32
        %dma_start3A_304 = arith.constant 0 : i32
        %dma_start3A_305 = arith.constant 0 : i32
        %dma_start3A_306 = tpu.memref_slice %arg9[%dma_start3A_303, %dma_start3A_304, %dma_start3A_305] : memref<4x128x64xf32, #tpu.memory_space<vmem>> -> memref<1x128x64xf32, #tpu.memory_space<vmem>>
        %dma_start3A_307 = tpu.memref_squeeze %dma_start3A_306 : memref<1x128x64xf32, #tpu.memory_space<vmem>> -> memref<128x64xf32, #tpu.memory_space<vmem>>
        %dma_start3A_308 = arith.constant 0 : i32
        %dma_start3A_309 = tpu.memref_slice %arg8[%add3A_302, %dma_start3A_308] : memref<40x128xi32, #tpu.memory_space<vmem>> -> memref<1x128xi32, #tpu.memory_space<vmem>>
        %dma_start3A_310 = tpu.memref_squeeze %dma_start3A_309 : memref<1x128xi32, #tpu.memory_space<vmem>> -> memref<128xi32, #tpu.memory_space<vmem>>
        %dma_start3A_311 = arith.constant 0 : i32
        %dma_start3A_312 = arith.constant 0 : i32
        %dma_start3A_313 = tpu.memref_slice %arg11[%dma_start3A_311, %dma_start3A_312] : memref<10112x64xf32, #tpu.memory_space<vmem_shared>> -> memref<10112x64xf32, #tpu.memory_space<vmem_shared>>
        tpu.enqueue_indirect_dma source(%dma_start3A_307 : memref<128x64xf32, #tpu.memory_space<vmem>>) target(%dma_start3A_313 : memref<10112x64xf32, #tpu.memory_space<vmem_shared>>) offsets(%dma_start3A_310 : memref<128xi32, #tpu.memory_space<vmem>>) semaphore(%arg17 : memref<!tpu.dma_semaphore, #tpu.memory_space<semaphore_mem>>) {add = true}
        %dma_wait3A_314 = arith.constant 2 : i32
        %dma_wait3A_315 = arith.constant 0 : i32
        %dma_wait3A_316 = arith.constant 0 : i32
        %dma_wait3A_317 = tpu.memref_slice %arg9[%dma_wait3A_314, %dma_wait3A_315, %dma_wait3A_316] : memref<4x128x64xf32, #tpu.memory_space<vmem>> -> memref<1x128x64xf32, #tpu.memory_space<vmem>>
        %dma_wait3A_318 = tpu.memref_squeeze %dma_wait3A_317 : memref<1x128x64xf32, #tpu.memory_space<vmem>> -> memref<128x64xf32, #tpu.memory_space<vmem>>
        %dma_wait3A_319 = arith.constant 0 : i32
        %dma_wait3A_320 = arith.constant 0 : i32
        %dma_wait3A_321 = tpu.memref_slice %arg2[%dma_wait3A_319, %dma_wait3A_320] : memref<20000x64xf32, #tpu.memory_space<hbm>> -> memref<128x64xf32, #tpu.memory_space<hbm>>
        %dma_wait3A_322 = arith.constant 0 : i32
        %dma_wait3A_323 = arith.constant 0 : i32
        %dma_wait3A_324 = tpu.memref_slice %arg9[%dma_wait3A_314, %dma_wait3A_322, %dma_wait3A_323] : memref<4x128x64xf32, #tpu.memory_space<vmem>> -> memref<1x128x64xf32, #tpu.memory_space<vmem>>
        %dma_wait3A_325 = tpu.memref_squeeze %dma_wait3A_324 : memref<1x128x64xf32, #tpu.memory_space<vmem>> -> memref<128x64xf32, #tpu.memory_space<vmem>>
        %dma_wait3A_326 = arith.constant 0 : i32
        %dma_wait3A_327 = arith.constant 0 : i32
        %dma_wait3A_328 = tpu.memref_slice %arg2[%dma_wait3A_326, %dma_wait3A_327] : memref<20000x64xf32, #tpu.memory_space<hbm>> -> memref<128x64xf32, #tpu.memory_space<hbm>>
        tpu.wait_dma2 semaphore(%arg14 : memref<!tpu.dma_semaphore, #tpu.memory_space<semaphore_mem>>) src(%dma_wait3A_328 : memref<128x64xf32, #tpu.memory_space<hbm>>) dst(%dma_wait3A_325 : memref<128x64xf32, #tpu.memory_space<vmem>>)
        %add3A_329 = arith.constant 2 : i32
        %add3A_330 = arith.addi %mul3A_257, %add3A_329 : i32
        %dma_start3A_331 = arith.constant 2 : i32
        %dma_start3A_332 = arith.constant 0 : i32
        %dma_start3A_333 = arith.constant 0 : i32
        %dma_start3A_334 = tpu.memref_slice %arg9[%dma_start3A_331, %dma_start3A_332, %dma_start3A_333] : memref<4x128x64xf32, #tpu.memory_space<vmem>> -> memref<1x128x64xf32, #tpu.memory_space<vmem>>
        %dma_start3A_335 = tpu.memref_squeeze %dma_start3A_334 : memref<1x128x64xf32, #tpu.memory_space<vmem>> -> memref<128x64xf32, #tpu.memory_space<vmem>>
        %dma_start3A_336 = arith.constant 0 : i32
        %dma_start3A_337 = tpu.memref_slice %arg8[%add3A_330, %dma_start3A_336] : memref<40x128xi32, #tpu.memory_space<vmem>> -> memref<1x128xi32, #tpu.memory_space<vmem>>
        %dma_start3A_338 = tpu.memref_squeeze %dma_start3A_337 : memref<1x128xi32, #tpu.memory_space<vmem>> -> memref<128xi32, #tpu.memory_space<vmem>>
        %dma_start3A_339 = arith.constant 0 : i32
        %dma_start3A_340 = arith.constant 0 : i32
        %dma_start3A_341 = tpu.memref_slice %arg11[%dma_start3A_339, %dma_start3A_340] : memref<10112x64xf32, #tpu.memory_space<vmem_shared>> -> memref<10112x64xf32, #tpu.memory_space<vmem_shared>>
        tpu.enqueue_indirect_dma source(%dma_start3A_335 : memref<128x64xf32, #tpu.memory_space<vmem>>) target(%dma_start3A_341 : memref<10112x64xf32, #tpu.memory_space<vmem_shared>>) offsets(%dma_start3A_338 : memref<128xi32, #tpu.memory_space<vmem>>) semaphore(%arg18 : memref<!tpu.dma_semaphore, #tpu.memory_space<semaphore_mem>>) {add = true}
        %dma_wait3A_342 = arith.constant 3 : i32
        %dma_wait3A_343 = arith.constant 0 : i32
        %dma_wait3A_344 = arith.constant 0 : i32
        %dma_wait3A_345 = tpu.memref_slice %arg9[%dma_wait3A_342, %dma_wait3A_343, %dma_wait3A_344] : memref<4x128x64xf32, #tpu.memory_space<vmem>> -> memref<1x128x64xf32, #tpu.memory_space<vmem>>
        %dma_wait3A_346 = tpu.memref_squeeze %dma_wait3A_345 : memref<1x128x64xf32, #tpu.memory_space<vmem>> -> memref<128x64xf32, #tpu.memory_space<vmem>>
        %dma_wait3A_347 = arith.constant 0 : i32
        %dma_wait3A_348 = arith.constant 0 : i32
        %dma_wait3A_349 = tpu.memref_slice %arg2[%dma_wait3A_347, %dma_wait3A_348] : memref<20000x64xf32, #tpu.memory_space<hbm>> -> memref<128x64xf32, #tpu.memory_space<hbm>>
        %dma_wait3A_350 = arith.constant 0 : i32
        %dma_wait3A_351 = arith.constant 0 : i32
        %dma_wait3A_352 = tpu.memref_slice %arg9[%dma_wait3A_342, %dma_wait3A_350, %dma_wait3A_351] : memref<4x128x64xf32, #tpu.memory_space<vmem>> -> memref<1x128x64xf32, #tpu.memory_space<vmem>>
        %dma_wait3A_353 = tpu.memref_squeeze %dma_wait3A_352 : memref<1x128x64xf32, #tpu.memory_space<vmem>> -> memref<128x64xf32, #tpu.memory_space<vmem>>
        %dma_wait3A_354 = arith.constant 0 : i32
        %dma_wait3A_355 = arith.constant 0 : i32
        %dma_wait3A_356 = tpu.memref_slice %arg2[%dma_wait3A_354, %dma_wait3A_355] : memref<20000x64xf32, #tpu.memory_space<hbm>> -> memref<128x64xf32, #tpu.memory_space<hbm>>
        tpu.wait_dma2 semaphore(%arg15 : memref<!tpu.dma_semaphore, #tpu.memory_space<semaphore_mem>>) src(%dma_wait3A_356 : memref<128x64xf32, #tpu.memory_space<hbm>>) dst(%dma_wait3A_353 : memref<128x64xf32, #tpu.memory_space<vmem>>)
        %add3A_357 = arith.constant 3 : i32
        %add3A_358 = arith.addi %mul3A_257, %add3A_357 : i32
        %dma_start3A_359 = arith.constant 3 : i32
        %dma_start3A_360 = arith.constant 0 : i32
        %dma_start3A_361 = arith.constant 0 : i32
        %dma_start3A_362 = tpu.memref_slice %arg9[%dma_start3A_359, %dma_start3A_360, %dma_start3A_361] : memref<4x128x64xf32, #tpu.memory_space<vmem>> -> memref<1x128x64xf32, #tpu.memory_space<vmem>>
        %dma_start3A_363 = tpu.memref_squeeze %dma_start3A_362 : memref<1x128x64xf32, #tpu.memory_space<vmem>> -> memref<128x64xf32, #tpu.memory_space<vmem>>
        %dma_start3A_364 = arith.constant 0 : i32
        %dma_start3A_365 = tpu.memref_slice %arg8[%add3A_358, %dma_start3A_364] : memref<40x128xi32, #tpu.memory_space<vmem>> -> memref<1x128xi32, #tpu.memory_space<vmem>>
        %dma_start3A_366 = tpu.memref_squeeze %dma_start3A_365 : memref<1x128xi32, #tpu.memory_space<vmem>> -> memref<128xi32, #tpu.memory_space<vmem>>
        %dma_start3A_367 = arith.constant 0 : i32
        %dma_start3A_368 = arith.constant 0 : i32
        %dma_start3A_369 = tpu.memref_slice %arg11[%dma_start3A_367, %dma_start3A_368] : memref<10112x64xf32, #tpu.memory_space<vmem_shared>> -> memref<10112x64xf32, #tpu.memory_space<vmem_shared>>
        tpu.enqueue_indirect_dma source(%dma_start3A_363 : memref<128x64xf32, #tpu.memory_space<vmem>>) target(%dma_start3A_369 : memref<10112x64xf32, #tpu.memory_space<vmem_shared>>) offsets(%dma_start3A_366 : memref<128xi32, #tpu.memory_space<vmem>>) semaphore(%arg19 : memref<!tpu.dma_semaphore, #tpu.memory_space<semaphore_mem>>) {add = true}
        %dma_wait3A_370 = arith.constant 0 : i32
        %dma_wait3A_371 = arith.constant 0 : i32
        %dma_wait3A_372 = arith.constant 0 : i32
        %dma_wait3A_373 = tpu.memref_slice %arg9[%dma_wait3A_370, %dma_wait3A_371, %dma_wait3A_372] : memref<4x128x64xf32, #tpu.memory_space<vmem>> -> memref<1x128x64xf32, #tpu.memory_space<vmem>>
        %dma_wait3A_374 = tpu.memref_squeeze %dma_wait3A_373 : memref<1x128x64xf32, #tpu.memory_space<vmem>> -> memref<128x64xf32, #tpu.memory_space<vmem>>
        %dma_wait3A_375 = arith.constant 0 : i32
        %dma_wait3A_376 = arith.constant 0 : i32
        %dma_wait3A_377 = tpu.memref_slice %arg11[%dma_wait3A_375, %dma_wait3A_376] : memref<10112x64xf32, #tpu.memory_space<vmem_shared>> -> memref<128x64xf32, #tpu.memory_space<vmem_shared>>
        %dma_wait3A_378 = arith.constant 0 : i32
        %dma_wait3A_379 = arith.constant 0 : i32
        %dma_wait3A_380 = tpu.memref_slice %arg11[%dma_wait3A_378, %dma_wait3A_379] : memref<10112x64xf32, #tpu.memory_space<vmem_shared>> -> memref<128x64xf32, #tpu.memory_space<vmem_shared>>
        %dma_wait3A_381 = arith.constant 0 : i32
        %dma_wait3A_382 = arith.constant 0 : i32
        %dma_wait3A_383 = tpu.memref_slice %arg9[%dma_wait3A_370, %dma_wait3A_381, %dma_wait3A_382] : memref<4x128x64xf32, #tpu.memory_space<vmem>> -> memref<1x128x64xf32, #tpu.memory_space<vmem>>
        %dma_wait3A_384 = tpu.memref_squeeze %dma_wait3A_383 : memref<1x128x64xf32, #tpu.memory_space<vmem>> -> memref<128x64xf32, #tpu.memory_space<vmem>>
        tpu.wait_dma2 semaphore(%arg16 : memref<!tpu.dma_semaphore, #tpu.memory_space<semaphore_mem>>) src(%dma_wait3A_384 : memref<128x64xf32, #tpu.memory_space<vmem>>) dst(%dma_wait3A_380 : memref<128x64xf32, #tpu.memory_space<vmem_shared>>)
        %add3A_385 = arith.constant 4 : i32
        %add3A_386 = arith.addi %mul3A_257, %add3A_385 : i32
        %add3A_387 = arith.constant 0 : i32
        %add3A_388 = arith.addi %add3A_386, %add3A_387 : i32
        %dma_start3A_389 = arith.constant 0 : i32
        %dma_start3A_390 = arith.constant 0 : i32
        %dma_start3A_391 = arith.constant 0 : i32
        %dma_start3A_392 = tpu.memref_slice %arg9[%dma_start3A_389, %dma_start3A_390, %dma_start3A_391] : memref<4x128x64xf32, #tpu.memory_space<vmem>> -> memref<1x128x64xf32, #tpu.memory_space<vmem>>
        %dma_start3A_393 = tpu.memref_squeeze %dma_start3A_392 : memref<1x128x64xf32, #tpu.memory_space<vmem>> -> memref<128x64xf32, #tpu.memory_space<vmem>>
        %dma_start3A_394 = arith.constant 0 : i32
        %dma_start3A_395 = tpu.memref_slice %arg7[%add3A_388, %dma_start3A_394] : memref<40x128xi32, #tpu.memory_space<vmem>> -> memref<1x128xi32, #tpu.memory_space<vmem>>
        %dma_start3A_396 = tpu.memref_squeeze %dma_start3A_395 : memref<1x128xi32, #tpu.memory_space<vmem>> -> memref<128xi32, #tpu.memory_space<vmem>>
        %dma_start3A_397 = arith.constant 0 : i32
        %dma_start3A_398 = arith.constant 0 : i32
        %dma_start3A_399 = tpu.memref_slice %arg10[%dma_start3A_397, %dma_start3A_398] : memref<10000x64xf32, #tpu.memory_space<vmem_shared>> -> memref<10000x64xf32, #tpu.memory_space<vmem_shared>>
        tpu.enqueue_indirect_dma source(%dma_start3A_399 : memref<10000x64xf32, #tpu.memory_space<vmem_shared>>) target(%dma_start3A_393 : memref<128x64xf32, #tpu.memory_space<vmem>>) offsets(%dma_start3A_396 : memref<128xi32, #tpu.memory_space<vmem>>) semaphore(%arg12 : memref<!tpu.dma_semaphore, #tpu.memory_space<semaphore_mem>>)
        %dma_wait3A_400 = arith.constant 1 : i32
        %dma_wait3A_401 = arith.constant 0 : i32
        %dma_wait3A_402 = arith.constant 0 : i32
        %dma_wait3A_403 = tpu.memref_slice %arg9[%dma_wait3A_400, %dma_wait3A_401, %dma_wait3A_402] : memref<4x128x64xf32, #tpu.memory_space<vmem>> -> memref<1x128x64xf32, #tpu.memory_space<vmem>>
        %dma_wait3A_404 = tpu.memref_squeeze %dma_wait3A_403 : memref<1x128x64xf32, #tpu.memory_space<vmem>> -> memref<128x64xf32, #tpu.memory_space<vmem>>
        %dma_wait3A_405 = arith.constant 0 : i32
        %dma_wait3A_406 = arith.constant 0 : i32
        %dma_wait3A_407 = tpu.memref_slice %arg11[%dma_wait3A_405, %dma_wait3A_406] : memref<10112x64xf32, #tpu.memory_space<vmem_shared>> -> memref<128x64xf32, #tpu.memory_space<vmem_shared>>
        %dma_wait3A_408 = arith.constant 0 : i32
        %dma_wait3A_409 = arith.constant 0 : i32
        %dma_wait3A_410 = tpu.memref_slice %arg11[%dma_wait3A_408, %dma_wait3A_409] : memref<10112x64xf32, #tpu.memory_space<vmem_shared>> -> memref<128x64xf32, #tpu.memory_space<vmem_shared>>
        %dma_wait3A_411 = arith.constant 0 : i32
        %dma_wait3A_412 = arith.constant 0 : i32
        %dma_wait3A_413 = tpu.memref_slice %arg9[%dma_wait3A_400, %dma_wait3A_411, %dma_wait3A_412] : memref<4x128x64xf32, #tpu.memory_space<vmem>> -> memref<1x128x64xf32, #tpu.memory_space<vmem>>
        %dma_wait3A_414 = tpu.memref_squeeze %dma_wait3A_413 : memref<1x128x64xf32, #tpu.memory_space<vmem>> -> memref<128x64xf32, #tpu.memory_space<vmem>>
        tpu.wait_dma2 semaphore(%arg17 : memref<!tpu.dma_semaphore, #tpu.memory_space<semaphore_mem>>) src(%dma_wait3A_414 : memref<128x64xf32, #tpu.memory_space<vmem>>) dst(%dma_wait3A_410 : memref<128x64xf32, #tpu.memory_space<vmem_shared>>)
        %add3A_415 = arith.constant 4 : i32
        %add3A_416 = arith.addi %mul3A_257, %add3A_415 : i32
        %add3A_417 = arith.constant 1 : i32
        %add3A_418 = arith.addi %add3A_416, %add3A_417 : i32
        %dma_start3A_419 = arith.constant 1 : i32
        %dma_start3A_420 = arith.constant 0 : i32
        %dma_start3A_421 = arith.constant 0 : i32
        %dma_start3A_422 = tpu.memref_slice %arg9[%dma_start3A_419, %dma_start3A_420, %dma_start3A_421] : memref<4x128x64xf32, #tpu.memory_space<vmem>> -> memref<1x128x64xf32, #tpu.memory_space<vmem>>
        %dma_start3A_423 = tpu.memref_squeeze %dma_start3A_422 : memref<1x128x64xf32, #tpu.memory_space<vmem>> -> memref<128x64xf32, #tpu.memory_space<vmem>>
        %dma_start3A_424 = arith.constant 0 : i32
        %dma_start3A_425 = tpu.memref_slice %arg7[%add3A_418, %dma_start3A_424] : memref<40x128xi32, #tpu.memory_space<vmem>> -> memref<1x128xi32, #tpu.memory_space<vmem>>
        %dma_start3A_426 = tpu.memref_squeeze %dma_start3A_425 : memref<1x128xi32, #tpu.memory_space<vmem>> -> memref<128xi32, #tpu.memory_space<vmem>>
        %dma_start3A_427 = arith.constant 0 : i32
        %dma_start3A_428 = arith.constant 0 : i32
        %dma_start3A_429 = tpu.memref_slice %arg10[%dma_start3A_427, %dma_start3A_428] : memref<10000x64xf32, #tpu.memory_space<vmem_shared>> -> memref<10000x64xf32, #tpu.memory_space<vmem_shared>>
        tpu.enqueue_indirect_dma source(%dma_start3A_429 : memref<10000x64xf32, #tpu.memory_space<vmem_shared>>) target(%dma_start3A_423 : memref<128x64xf32, #tpu.memory_space<vmem>>) offsets(%dma_start3A_426 : memref<128xi32, #tpu.memory_space<vmem>>) semaphore(%arg13 : memref<!tpu.dma_semaphore, #tpu.memory_space<semaphore_mem>>)
        %dma_wait3A_430 = arith.constant 2 : i32
        %dma_wait3A_431 = arith.constant 0 : i32
        %dma_wait3A_432 = arith.constant 0 : i32
        %dma_wait3A_433 = tpu.memref_slice %arg9[%dma_wait3A_430, %dma_wait3A_431, %dma_wait3A_432] : memref<4x128x64xf32, #tpu.memory_space<vmem>> -> memref<1x128x64xf32, #tpu.memory_space<vmem>>
        %dma_wait3A_434 = tpu.memref_squeeze %dma_wait3A_433 : memref<1x128x64xf32, #tpu.memory_space<vmem>> -> memref<128x64xf32, #tpu.memory_space<vmem>>
        %dma_wait3A_435 = arith.constant 0 : i32
        %dma_wait3A_436 = arith.constant 0 : i32
        %dma_wait3A_437 = tpu.memref_slice %arg11[%dma_wait3A_435, %dma_wait3A_436] : memref<10112x64xf32, #tpu.memory_space<vmem_shared>> -> memref<128x64xf32, #tpu.memory_space<vmem_shared>>
        %dma_wait3A_438 = arith.constant 0 : i32
        %dma_wait3A_439 = arith.constant 0 : i32
        %dma_wait3A_440 = tpu.memref_slice %arg11[%dma_wait3A_438, %dma_wait3A_439] : memref<10112x64xf32, #tpu.memory_space<vmem_shared>> -> memref<128x64xf32, #tpu.memory_space<vmem_shared>>
        %dma_wait3A_441 = arith.constant 0 : i32
        %dma_wait3A_442 = arith.constant 0 : i32
        %dma_wait3A_443 = tpu.memref_slice %arg9[%dma_wait3A_430, %dma_wait3A_441, %dma_wait3A_442] : memref<4x128x64xf32, #tpu.memory_space<vmem>> -> memref<1x128x64xf32, #tpu.memory_space<vmem>>
        %dma_wait3A_444 = tpu.memref_squeeze %dma_wait3A_443 : memref<1x128x64xf32, #tpu.memory_space<vmem>> -> memref<128x64xf32, #tpu.memory_space<vmem>>
        tpu.wait_dma2 semaphore(%arg18 : memref<!tpu.dma_semaphore, #tpu.memory_space<semaphore_mem>>) src(%dma_wait3A_444 : memref<128x64xf32, #tpu.memory_space<vmem>>) dst(%dma_wait3A_440 : memref<128x64xf32, #tpu.memory_space<vmem_shared>>)
        %add3A_445 = arith.constant 4 : i32
        %add3A_446 = arith.addi %mul3A_257, %add3A_445 : i32
        %add3A_447 = arith.constant 2 : i32
        %add3A_448 = arith.addi %add3A_446, %add3A_447 : i32
        %dma_start3A_449 = arith.constant 2 : i32
        %dma_start3A_450 = arith.constant 0 : i32
        %dma_start3A_451 = arith.constant 0 : i32
        %dma_start3A_452 = tpu.memref_slice %arg9[%dma_start3A_449, %dma_start3A_450, %dma_start3A_451] : memref<4x128x64xf32, #tpu.memory_space<vmem>> -> memref<1x128x64xf32, #tpu.memory_space<vmem>>
        %dma_start3A_453 = tpu.memref_squeeze %dma_start3A_452 : memref<1x128x64xf32, #tpu.memory_space<vmem>> -> memref<128x64xf32, #tpu.memory_space<vmem>>
        %dma_start3A_454 = arith.constant 0 : i32
        %dma_start3A_455 = tpu.memref_slice %arg7[%add3A_448, %dma_start3A_454] : memref<40x128xi32, #tpu.memory_space<vmem>> -> memref<1x128xi32, #tpu.memory_space<vmem>>
        %dma_start3A_456 = tpu.memref_squeeze %dma_start3A_455 : memref<1x128xi32, #tpu.memory_space<vmem>> -> memref<128xi32, #tpu.memory_space<vmem>>
        %dma_start3A_457 = arith.constant 0 : i32
        %dma_start3A_458 = arith.constant 0 : i32
        %dma_start3A_459 = tpu.memref_slice %arg10[%dma_start3A_457, %dma_start3A_458] : memref<10000x64xf32, #tpu.memory_space<vmem_shared>> -> memref<10000x64xf32, #tpu.memory_space<vmem_shared>>
        tpu.enqueue_indirect_dma source(%dma_start3A_459 : memref<10000x64xf32, #tpu.memory_space<vmem_shared>>) target(%dma_start3A_453 : memref<128x64xf32, #tpu.memory_space<vmem>>) offsets(%dma_start3A_456 : memref<128xi32, #tpu.memory_space<vmem>>) semaphore(%arg14 : memref<!tpu.dma_semaphore, #tpu.memory_space<semaphore_mem>>)
        %dma_wait3A_460 = arith.constant 3 : i32
        %dma_wait3A_461 = arith.constant 0 : i32
        %dma_wait3A_462 = arith.constant 0 : i32
        %dma_wait3A_463 = tpu.memref_slice %arg9[%dma_wait3A_460, %dma_wait3A_461, %dma_wait3A_462] : memref<4x128x64xf32, #tpu.memory_space<vmem>> -> memref<1x128x64xf32, #tpu.memory_space<vmem>>
        %dma_wait3A_464 = tpu.memref_squeeze %dma_wait3A_463 : memref<1x128x64xf32, #tpu.memory_space<vmem>> -> memref<128x64xf32, #tpu.memory_space<vmem>>
        %dma_wait3A_465 = arith.constant 0 : i32
        %dma_wait3A_466 = arith.constant 0 : i32
        %dma_wait3A_467 = tpu.memref_slice %arg11[%dma_wait3A_465, %dma_wait3A_466] : memref<10112x64xf32, #tpu.memory_space<vmem_shared>> -> memref<128x64xf32, #tpu.memory_space<vmem_shared>>
        %dma_wait3A_468 = arith.constant 0 : i32
        %dma_wait3A_469 = arith.constant 0 : i32
        %dma_wait3A_470 = tpu.memref_slice %arg11[%dma_wait3A_468, %dma_wait3A_469] : memref<10112x64xf32, #tpu.memory_space<vmem_shared>> -> memref<128x64xf32, #tpu.memory_space<vmem_shared>>
        %dma_wait3A_471 = arith.constant 0 : i32
        %dma_wait3A_472 = arith.constant 0 : i32
        %dma_wait3A_473 = tpu.memref_slice %arg9[%dma_wait3A_460, %dma_wait3A_471, %dma_wait3A_472] : memref<4x128x64xf32, #tpu.memory_space<vmem>> -> memref<1x128x64xf32, #tpu.memory_space<vmem>>
        %dma_wait3A_474 = tpu.memref_squeeze %dma_wait3A_473 : memref<1x128x64xf32, #tpu.memory_space<vmem>> -> memref<128x64xf32, #tpu.memory_space<vmem>>
        tpu.wait_dma2 semaphore(%arg19 : memref<!tpu.dma_semaphore, #tpu.memory_space<semaphore_mem>>) src(%dma_wait3A_474 : memref<128x64xf32, #tpu.memory_space<vmem>>) dst(%dma_wait3A_470 : memref<128x64xf32, #tpu.memory_space<vmem_shared>>)
        %add3A_475 = arith.constant 4 : i32
        %add3A_476 = arith.addi %mul3A_257, %add3A_475 : i32
        %add3A_477 = arith.constant 3 : i32
        %add3A_478 = arith.addi %add3A_476, %add3A_477 : i32
        %dma_start3A_479 = arith.constant 3 : i32
        %dma_start3A_480 = arith.constant 0 : i32
        %dma_start3A_481 = arith.constant 0 : i32
        %dma_start3A_482 = tpu.memref_slice %arg9[%dma_start3A_479, %dma_start3A_480, %dma_start3A_481] : memref<4x128x64xf32, #tpu.memory_space<vmem>> -> memref<1x128x64xf32, #tpu.memory_space<vmem>>
        %dma_start3A_483 = tpu.memref_squeeze %dma_start3A_482 : memref<1x128x64xf32, #tpu.memory_space<vmem>> -> memref<128x64xf32, #tpu.memory_space<vmem>>
        %dma_start3A_484 = arith.constant 0 : i32
        %dma_start3A_485 = tpu.memref_slice %arg7[%add3A_478, %dma_start3A_484] : memref<40x128xi32, #tpu.memory_space<vmem>> -> memref<1x128xi32, #tpu.memory_space<vmem>>
        %dma_start3A_486 = tpu.memref_squeeze %dma_start3A_485 : memref<1x128xi32, #tpu.memory_space<vmem>> -> memref<128xi32, #tpu.memory_space<vmem>>
        %dma_start3A_487 = arith.constant 0 : i32
        %dma_start3A_488 = arith.constant 0 : i32
        %dma_start3A_489 = tpu.memref_slice %arg10[%dma_start3A_487, %dma_start3A_488] : memref<10000x64xf32, #tpu.memory_space<vmem_shared>> -> memref<10000x64xf32, #tpu.memory_space<vmem_shared>>
        tpu.enqueue_indirect_dma source(%dma_start3A_489 : memref<10000x64xf32, #tpu.memory_space<vmem_shared>>) target(%dma_start3A_483 : memref<128x64xf32, #tpu.memory_space<vmem>>) offsets(%dma_start3A_486 : memref<128xi32, #tpu.memory_space<vmem>>) semaphore(%arg15 : memref<!tpu.dma_semaphore, #tpu.memory_space<semaphore_mem>>)
      }
      %scan3A_87 = arith.constant 9 : i32
      %dma_wait3A = arith.constant 0 : i32
      %dma_wait3A_88 = arith.constant 0 : i32
      %dma_wait3A_89 = arith.constant 0 : i32
      %dma_wait3A_90 = tpu.memref_slice %arg9[%dma_wait3A, %dma_wait3A_88, %dma_wait3A_89] : memref<4x128x64xf32, #tpu.memory_space<vmem>> -> memref<1x128x64xf32, #tpu.memory_space<vmem>>
      %dma_wait3A_91 = tpu.memref_squeeze %dma_wait3A_90 : memref<1x128x64xf32, #tpu.memory_space<vmem>> -> memref<128x64xf32, #tpu.memory_space<vmem>>
      %dma_wait3A_92 = arith.constant 0 : i32
      %dma_wait3A_93 = arith.constant 0 : i32
      %dma_wait3A_94 = tpu.memref_slice %arg2[%dma_wait3A_92, %dma_wait3A_93] : memref<20000x64xf32, #tpu.memory_space<hbm>> -> memref<128x64xf32, #tpu.memory_space<hbm>>
      %dma_wait3A_95 = arith.constant 0 : i32
      %dma_wait3A_96 = arith.constant 0 : i32
      %dma_wait3A_97 = tpu.memref_slice %arg9[%dma_wait3A, %dma_wait3A_95, %dma_wait3A_96] : memref<4x128x64xf32, #tpu.memory_space<vmem>> -> memref<1x128x64xf32, #tpu.memory_space<vmem>>
      %dma_wait3A_98 = tpu.memref_squeeze %dma_wait3A_97 : memref<1x128x64xf32, #tpu.memory_space<vmem>> -> memref<128x64xf32, #tpu.memory_space<vmem>>
      %dma_wait3A_99 = arith.constant 0 : i32
      %dma_wait3A_100 = arith.constant 0 : i32
      %dma_wait3A_101 = tpu.memref_slice %arg2[%dma_wait3A_99, %dma_wait3A_100] : memref<20000x64xf32, #tpu.memory_space<hbm>> -> memref<128x64xf32, #tpu.memory_space<hbm>>
      tpu.wait_dma2 semaphore(%arg12 : memref<!tpu.dma_semaphore, #tpu.memory_space<semaphore_mem>>) src(%dma_wait3A_101 : memref<128x64xf32, #tpu.memory_space<hbm>>) dst(%dma_wait3A_98 : memref<128x64xf32, #tpu.memory_space<vmem>>)
      %dma_start3A_102 = arith.constant 0 : i32
      %dma_start3A_103 = arith.constant 36 : i32
      %dma_start3A_104 = arith.constant 0 : i32
      %dma_start3A_105 = arith.constant 0 : i32
      %dma_start3A_106 = tpu.memref_slice %arg9[%dma_start3A_102, %dma_start3A_104, %dma_start3A_105] : memref<4x128x64xf32, #tpu.memory_space<vmem>> -> memref<1x128x64xf32, #tpu.memory_space<vmem>>
      %dma_start3A_107 = tpu.memref_squeeze %dma_start3A_106 : memref<1x128x64xf32, #tpu.memory_space<vmem>> -> memref<128x64xf32, #tpu.memory_space<vmem>>
      %dma_start3A_108 = arith.constant 0 : i32
      %dma_start3A_109 = tpu.memref_slice %arg8[%dma_start3A_103, %dma_start3A_108] : memref<40x128xi32, #tpu.memory_space<vmem>> -> memref<1x128xi32, #tpu.memory_space<vmem>>
      %dma_start3A_110 = tpu.memref_squeeze %dma_start3A_109 : memref<1x128xi32, #tpu.memory_space<vmem>> -> memref<128xi32, #tpu.memory_space<vmem>>
      %dma_start3A_111 = arith.constant 0 : i32
      %dma_start3A_112 = arith.constant 0 : i32
      %dma_start3A_113 = tpu.memref_slice %arg11[%dma_start3A_111, %dma_start3A_112] : memref<10112x64xf32, #tpu.memory_space<vmem_shared>> -> memref<10112x64xf32, #tpu.memory_space<vmem_shared>>
      tpu.enqueue_indirect_dma source(%dma_start3A_107 : memref<128x64xf32, #tpu.memory_space<vmem>>) target(%dma_start3A_113 : memref<10112x64xf32, #tpu.memory_space<vmem_shared>>) offsets(%dma_start3A_110 : memref<128xi32, #tpu.memory_space<vmem>>) semaphore(%arg16 : memref<!tpu.dma_semaphore, #tpu.memory_space<semaphore_mem>>) {add = true}
      %dma_wait3A_114 = arith.constant 1 : i32
      %dma_wait3A_115 = arith.constant 0 : i32
      %dma_wait3A_116 = arith.constant 0 : i32
      %dma_wait3A_117 = tpu.memref_slice %arg9[%dma_wait3A_114, %dma_wait3A_115, %dma_wait3A_116] : memref<4x128x64xf32, #tpu.memory_space<vmem>> -> memref<1x128x64xf32, #tpu.memory_space<vmem>>
      %dma_wait3A_118 = tpu.memref_squeeze %dma_wait3A_117 : memref<1x128x64xf32, #tpu.memory_space<vmem>> -> memref<128x64xf32, #tpu.memory_space<vmem>>
      %dma_wait3A_119 = arith.constant 0 : i32
      %dma_wait3A_120 = arith.constant 0 : i32
      %dma_wait3A_121 = tpu.memref_slice %arg2[%dma_wait3A_119, %dma_wait3A_120] : memref<20000x64xf32, #tpu.memory_space<hbm>> -> memref<128x64xf32, #tpu.memory_space<hbm>>
      %dma_wait3A_122 = arith.constant 0 : i32
      %dma_wait3A_123 = arith.constant 0 : i32
      %dma_wait3A_124 = tpu.memref_slice %arg9[%dma_wait3A_114, %dma_wait3A_122, %dma_wait3A_123] : memref<4x128x64xf32, #tpu.memory_space<vmem>> -> memref<1x128x64xf32, #tpu.memory_space<vmem>>
      %dma_wait3A_125 = tpu.memref_squeeze %dma_wait3A_124 : memref<1x128x64xf32, #tpu.memory_space<vmem>> -> memref<128x64xf32, #tpu.memory_space<vmem>>
      %dma_wait3A_126 = arith.constant 0 : i32
      %dma_wait3A_127 = arith.constant 0 : i32
      %dma_wait3A_128 = tpu.memref_slice %arg2[%dma_wait3A_126, %dma_wait3A_127] : memref<20000x64xf32, #tpu.memory_space<hbm>> -> memref<128x64xf32, #tpu.memory_space<hbm>>
      tpu.wait_dma2 semaphore(%arg13 : memref<!tpu.dma_semaphore, #tpu.memory_space<semaphore_mem>>) src(%dma_wait3A_128 : memref<128x64xf32, #tpu.memory_space<hbm>>) dst(%dma_wait3A_125 : memref<128x64xf32, #tpu.memory_space<vmem>>)
      %dma_start3A_129 = arith.constant 1 : i32
      %dma_start3A_130 = arith.constant 37 : i32
      %dma_start3A_131 = arith.constant 0 : i32
      %dma_start3A_132 = arith.constant 0 : i32
      %dma_start3A_133 = tpu.memref_slice %arg9[%dma_start3A_129, %dma_start3A_131, %dma_start3A_132] : memref<4x128x64xf32, #tpu.memory_space<vmem>> -> memref<1x128x64xf32, #tpu.memory_space<vmem>>
      %dma_start3A_134 = tpu.memref_squeeze %dma_start3A_133 : memref<1x128x64xf32, #tpu.memory_space<vmem>> -> memref<128x64xf32, #tpu.memory_space<vmem>>
      %dma_start3A_135 = arith.constant 0 : i32
      %dma_start3A_136 = tpu.memref_slice %arg8[%dma_start3A_130, %dma_start3A_135] : memref<40x128xi32, #tpu.memory_space<vmem>> -> memref<1x128xi32, #tpu.memory_space<vmem>>
      %dma_start3A_137 = tpu.memref_squeeze %dma_start3A_136 : memref<1x128xi32, #tpu.memory_space<vmem>> -> memref<128xi32, #tpu.memory_space<vmem>>
      %dma_start3A_138 = arith.constant 0 : i32
      %dma_start3A_139 = arith.constant 0 : i32
      %dma_start3A_140 = tpu.memref_slice %arg11[%dma_start3A_138, %dma_start3A_139] : memref<10112x64xf32, #tpu.memory_space<vmem_shared>> -> memref<10112x64xf32, #tpu.memory_space<vmem_shared>>
      tpu.enqueue_indirect_dma source(%dma_start3A_134 : memref<128x64xf32, #tpu.memory_space<vmem>>) target(%dma_start3A_140 : memref<10112x64xf32, #tpu.memory_space<vmem_shared>>) offsets(%dma_start3A_137 : memref<128xi32, #tpu.memory_space<vmem>>) semaphore(%arg17 : memref<!tpu.dma_semaphore, #tpu.memory_space<semaphore_mem>>) {add = true}
      %dma_wait3A_141 = arith.constant 2 : i32
      %dma_wait3A_142 = arith.constant 0 : i32
      %dma_wait3A_143 = arith.constant 0 : i32
      %dma_wait3A_144 = tpu.memref_slice %arg9[%dma_wait3A_141, %dma_wait3A_142, %dma_wait3A_143] : memref<4x128x64xf32, #tpu.memory_space<vmem>> -> memref<1x128x64xf32, #tpu.memory_space<vmem>>
      %dma_wait3A_145 = tpu.memref_squeeze %dma_wait3A_144 : memref<1x128x64xf32, #tpu.memory_space<vmem>> -> memref<128x64xf32, #tpu.memory_space<vmem>>
      %dma_wait3A_146 = arith.constant 0 : i32
      %dma_wait3A_147 = arith.constant 0 : i32
      %dma_wait3A_148 = tpu.memref_slice %arg2[%dma_wait3A_146, %dma_wait3A_147] : memref<20000x64xf32, #tpu.memory_space<hbm>> -> memref<128x64xf32, #tpu.memory_space<hbm>>
      %dma_wait3A_149 = arith.constant 0 : i32
      %dma_wait3A_150 = arith.constant 0 : i32
      %dma_wait3A_151 = tpu.memref_slice %arg9[%dma_wait3A_141, %dma_wait3A_149, %dma_wait3A_150] : memref<4x128x64xf32, #tpu.memory_space<vmem>> -> memref<1x128x64xf32, #tpu.memory_space<vmem>>
      %dma_wait3A_152 = tpu.memref_squeeze %dma_wait3A_151 : memref<1x128x64xf32, #tpu.memory_space<vmem>> -> memref<128x64xf32, #tpu.memory_space<vmem>>
      %dma_wait3A_153 = arith.constant 0 : i32
      %dma_wait3A_154 = arith.constant 0 : i32
      %dma_wait3A_155 = tpu.memref_slice %arg2[%dma_wait3A_153, %dma_wait3A_154] : memref<20000x64xf32, #tpu.memory_space<hbm>> -> memref<128x64xf32, #tpu.memory_space<hbm>>
      tpu.wait_dma2 semaphore(%arg14 : memref<!tpu.dma_semaphore, #tpu.memory_space<semaphore_mem>>) src(%dma_wait3A_155 : memref<128x64xf32, #tpu.memory_space<hbm>>) dst(%dma_wait3A_152 : memref<128x64xf32, #tpu.memory_space<vmem>>)
      %dma_start3A_156 = arith.constant 2 : i32
      %dma_start3A_157 = arith.constant 38 : i32
      %dma_start3A_158 = arith.constant 0 : i32
      %dma_start3A_159 = arith.constant 0 : i32
      %dma_start3A_160 = tpu.memref_slice %arg9[%dma_start3A_156, %dma_start3A_158, %dma_start3A_159] : memref<4x128x64xf32, #tpu.memory_space<vmem>> -> memref<1x128x64xf32, #tpu.memory_space<vmem>>
      %dma_start3A_161 = tpu.memref_squeeze %dma_start3A_160 : memref<1x128x64xf32, #tpu.memory_space<vmem>> -> memref<128x64xf32, #tpu.memory_space<vmem>>
      %dma_start3A_162 = arith.constant 0 : i32
      %dma_start3A_163 = tpu.memref_slice %arg8[%dma_start3A_157, %dma_start3A_162] : memref<40x128xi32, #tpu.memory_space<vmem>> -> memref<1x128xi32, #tpu.memory_space<vmem>>
      %dma_start3A_164 = tpu.memref_squeeze %dma_start3A_163 : memref<1x128xi32, #tpu.memory_space<vmem>> -> memref<128xi32, #tpu.memory_space<vmem>>
      %dma_start3A_165 = arith.constant 0 : i32
      %dma_start3A_166 = arith.constant 0 : i32
      %dma_start3A_167 = tpu.memref_slice %arg11[%dma_start3A_165, %dma_start3A_166] : memref<10112x64xf32, #tpu.memory_space<vmem_shared>> -> memref<10112x64xf32, #tpu.memory_space<vmem_shared>>
      tpu.enqueue_indirect_dma source(%dma_start3A_161 : memref<128x64xf32, #tpu.memory_space<vmem>>) target(%dma_start3A_167 : memref<10112x64xf32, #tpu.memory_space<vmem_shared>>) offsets(%dma_start3A_164 : memref<128xi32, #tpu.memory_space<vmem>>) semaphore(%arg18 : memref<!tpu.dma_semaphore, #tpu.memory_space<semaphore_mem>>) {add = true}
      %dma_wait3A_168 = arith.constant 3 : i32
      %dma_wait3A_169 = arith.constant 0 : i32
      %dma_wait3A_170 = arith.constant 0 : i32
      %dma_wait3A_171 = tpu.memref_slice %arg9[%dma_wait3A_168, %dma_wait3A_169, %dma_wait3A_170] : memref<4x128x64xf32, #tpu.memory_space<vmem>> -> memref<1x128x64xf32, #tpu.memory_space<vmem>>
      %dma_wait3A_172 = tpu.memref_squeeze %dma_wait3A_171 : memref<1x128x64xf32, #tpu.memory_space<vmem>> -> memref<128x64xf32, #tpu.memory_space<vmem>>
      %dma_wait3A_173 = arith.constant 0 : i32
      %dma_wait3A_174 = arith.constant 0 : i32
      %dma_wait3A_175 = tpu.memref_slice %arg2[%dma_wait3A_173, %dma_wait3A_174] : memref<20000x64xf32, #tpu.memory_space<hbm>> -> memref<128x64xf32, #tpu.memory_space<hbm>>
      %dma_wait3A_176 = arith.constant 0 : i32
      %dma_wait3A_177 = arith.constant 0 : i32
      %dma_wait3A_178 = tpu.memref_slice %arg9[%dma_wait3A_168, %dma_wait3A_176, %dma_wait3A_177] : memref<4x128x64xf32, #tpu.memory_space<vmem>> -> memref<1x128x64xf32, #tpu.memory_space<vmem>>
      %dma_wait3A_179 = tpu.memref_squeeze %dma_wait3A_178 : memref<1x128x64xf32, #tpu.memory_space<vmem>> -> memref<128x64xf32, #tpu.memory_space<vmem>>
      %dma_wait3A_180 = arith.constant 0 : i32
      %dma_wait3A_181 = arith.constant 0 : i32
      %dma_wait3A_182 = tpu.memref_slice %arg2[%dma_wait3A_180, %dma_wait3A_181] : memref<20000x64xf32, #tpu.memory_space<hbm>> -> memref<128x64xf32, #tpu.memory_space<hbm>>
      tpu.wait_dma2 semaphore(%arg15 : memref<!tpu.dma_semaphore, #tpu.memory_space<semaphore_mem>>) src(%dma_wait3A_182 : memref<128x64xf32, #tpu.memory_space<hbm>>) dst(%dma_wait3A_179 : memref<128x64xf32, #tpu.memory_space<vmem>>)
      %dma_start3A_183 = arith.constant 3 : i32
      %dma_start3A_184 = arith.constant 39 : i32
      %dma_start3A_185 = arith.constant 0 : i32
      %dma_start3A_186 = arith.constant 0 : i32
      %dma_start3A_187 = tpu.memref_slice %arg9[%dma_start3A_183, %dma_start3A_185, %dma_start3A_186] : memref<4x128x64xf32, #tpu.memory_space<vmem>> -> memref<1x128x64xf32, #tpu.memory_space<vmem>>
      %dma_start3A_188 = tpu.memref_squeeze %dma_start3A_187 : memref<1x128x64xf32, #tpu.memory_space<vmem>> -> memref<128x64xf32, #tpu.memory_space<vmem>>
      %dma_start3A_189 = arith.constant 0 : i32
      %dma_start3A_190 = tpu.memref_slice %arg8[%dma_start3A_184, %dma_start3A_189] : memref<40x128xi32, #tpu.memory_space<vmem>> -> memref<1x128xi32, #tpu.memory_space<vmem>>
      %dma_start3A_191 = tpu.memref_squeeze %dma_start3A_190 : memref<1x128xi32, #tpu.memory_space<vmem>> -> memref<128xi32, #tpu.memory_space<vmem>>
      %dma_start3A_192 = arith.constant 0 : i32
      %dma_start3A_193 = arith.constant 0 : i32
      %dma_start3A_194 = tpu.memref_slice %arg11[%dma_start3A_192, %dma_start3A_193] : memref<10112x64xf32, #tpu.memory_space<vmem_shared>> -> memref<10112x64xf32, #tpu.memory_space<vmem_shared>>
      tpu.enqueue_indirect_dma source(%dma_start3A_188 : memref<128x64xf32, #tpu.memory_space<vmem>>) target(%dma_start3A_194 : memref<10112x64xf32, #tpu.memory_space<vmem_shared>>) offsets(%dma_start3A_191 : memref<128xi32, #tpu.memory_space<vmem>>) semaphore(%arg19 : memref<!tpu.dma_semaphore, #tpu.memory_space<semaphore_mem>>) {add = true}
      %dma_wait3A_195 = arith.constant 0 : i32
      %dma_wait3A_196 = arith.constant 0 : i32
      %dma_wait3A_197 = arith.constant 0 : i32
      %dma_wait3A_198 = tpu.memref_slice %arg9[%dma_wait3A_195, %dma_wait3A_196, %dma_wait3A_197] : memref<4x128x64xf32, #tpu.memory_space<vmem>> -> memref<1x128x64xf32, #tpu.memory_space<vmem>>
      %dma_wait3A_199 = tpu.memref_squeeze %dma_wait3A_198 : memref<1x128x64xf32, #tpu.memory_space<vmem>> -> memref<128x64xf32, #tpu.memory_space<vmem>>
      %dma_wait3A_200 = arith.constant 0 : i32
      %dma_wait3A_201 = arith.constant 0 : i32
      %dma_wait3A_202 = tpu.memref_slice %arg11[%dma_wait3A_200, %dma_wait3A_201] : memref<10112x64xf32, #tpu.memory_space<vmem_shared>> -> memref<128x64xf32, #tpu.memory_space<vmem_shared>>
      %dma_wait3A_203 = arith.constant 0 : i32
      %dma_wait3A_204 = arith.constant 0 : i32
      %dma_wait3A_205 = tpu.memref_slice %arg11[%dma_wait3A_203, %dma_wait3A_204] : memref<10112x64xf32, #tpu.memory_space<vmem_shared>> -> memref<128x64xf32, #tpu.memory_space<vmem_shared>>
      %dma_wait3A_206 = arith.constant 0 : i32
      %dma_wait3A_207 = arith.constant 0 : i32
      %dma_wait3A_208 = tpu.memref_slice %arg9[%dma_wait3A_195, %dma_wait3A_206, %dma_wait3A_207] : memref<4x128x64xf32, #tpu.memory_space<vmem>> -> memref<1x128x64xf32, #tpu.memory_space<vmem>>
      %dma_wait3A_209 = tpu.memref_squeeze %dma_wait3A_208 : memref<1x128x64xf32, #tpu.memory_space<vmem>> -> memref<128x64xf32, #tpu.memory_space<vmem>>
      tpu.wait_dma2 semaphore(%arg16 : memref<!tpu.dma_semaphore, #tpu.memory_space<semaphore_mem>>) src(%dma_wait3A_209 : memref<128x64xf32, #tpu.memory_space<vmem>>) dst(%dma_wait3A_205 : memref<128x64xf32, #tpu.memory_space<vmem_shared>>)
      %dma_wait3A_210 = arith.constant 1 : i32
      %dma_wait3A_211 = arith.constant 0 : i32
      %dma_wait3A_212 = arith.constant 0 : i32
      %dma_wait3A_213 = tpu.memref_slice %arg9[%dma_wait3A_210, %dma_wait3A_211, %dma_wait3A_212] : memref<4x128x64xf32, #tpu.memory_space<vmem>> -> memref<1x128x64xf32, #tpu.memory_space<vmem>>
      %dma_wait3A_214 = tpu.memref_squeeze %dma_wait3A_213 : memref<1x128x64xf32, #tpu.memory_space<vmem>> -> memref<128x64xf32, #tpu.memory_space<vmem>>
      %dma_wait3A_215 = arith.constant 0 : i32
      %dma_wait3A_216 = arith.constant 0 : i32
      %dma_wait3A_217 = tpu.memref_slice %arg11[%dma_wait3A_215, %dma_wait3A_216] : memref<10112x64xf32, #tpu.memory_space<vmem_shared>> -> memref<128x64xf32, #tpu.memory_space<vmem_shared>>
      %dma_wait3A_218 = arith.constant 0 : i32
      %dma_wait3A_219 = arith.constant 0 : i32
      %dma_wait3A_220 = tpu.memref_slice %arg11[%dma_wait3A_218, %dma_wait3A_219] : memref<10112x64xf32, #tpu.memory_space<vmem_shared>> -> memref<128x64xf32, #tpu.memory_space<vmem_shared>>
      %dma_wait3A_221 = arith.constant 0 : i32
      %dma_wait3A_222 = arith.constant 0 : i32
      %dma_wait3A_223 = tpu.memref_slice %arg9[%dma_wait3A_210, %dma_wait3A_221, %dma_wait3A_222] : memref<4x128x64xf32, #tpu.memory_space<vmem>> -> memref<1x128x64xf32, #tpu.memory_space<vmem>>
      %dma_wait3A_224 = tpu.memref_squeeze %dma_wait3A_223 : memref<1x128x64xf32, #tpu.memory_space<vmem>> -> memref<128x64xf32, #tpu.memory_space<vmem>>
      tpu.wait_dma2 semaphore(%arg17 : memref<!tpu.dma_semaphore, #tpu.memory_space<semaphore_mem>>) src(%dma_wait3A_224 : memref<128x64xf32, #tpu.memory_space<vmem>>) dst(%dma_wait3A_220 : memref<128x64xf32, #tpu.memory_space<vmem_shared>>)
      %dma_wait3A_225 = arith.constant 2 : i32
      %dma_wait3A_226 = arith.constant 0 : i32
      %dma_wait3A_227 = arith.constant 0 : i32
      %dma_wait3A_228 = tpu.memref_slice %arg9[%dma_wait3A_225, %dma_wait3A_226, %dma_wait3A_227] : memref<4x128x64xf32, #tpu.memory_space<vmem>> -> memref<1x128x64xf32, #tpu.memory_space<vmem>>
      %dma_wait3A_229 = tpu.memref_squeeze %dma_wait3A_228 : memref<1x128x64xf32, #tpu.memory_space<vmem>> -> memref<128x64xf32, #tpu.memory_space<vmem>>
      %dma_wait3A_230 = arith.constant 0 : i32
      %dma_wait3A_231 = arith.constant 0 : i32
      %dma_wait3A_232 = tpu.memref_slice %arg11[%dma_wait3A_230, %dma_wait3A_231] : memref<10112x64xf32, #tpu.memory_space<vmem_shared>> -> memref<128x64xf32, #tpu.memory_space<vmem_shared>>
      %dma_wait3A_233 = arith.constant 0 : i32
      %dma_wait3A_234 = arith.constant 0 : i32
      %dma_wait3A_235 = tpu.memref_slice %arg11[%dma_wait3A_233, %dma_wait3A_234] : memref<10112x64xf32, #tpu.memory_space<vmem_shared>> -> memref<128x64xf32, #tpu.memory_space<vmem_shared>>
      %dma_wait3A_236 = arith.constant 0 : i32
      %dma_wait3A_237 = arith.constant 0 : i32
      %dma_wait3A_238 = tpu.memref_slice %arg9[%dma_wait3A_225, %dma_wait3A_236, %dma_wait3A_237] : memref<4x128x64xf32, #tpu.memory_space<vmem>> -> memref<1x128x64xf32, #tpu.memory_space<vmem>>
      %dma_wait3A_239 = tpu.memref_squeeze %dma_wait3A_238 : memref<1x128x64xf32, #tpu.memory_space<vmem>> -> memref<128x64xf32, #tpu.memory_space<vmem>>
      tpu.wait_dma2 semaphore(%arg18 : memref<!tpu.dma_semaphore, #tpu.memory_space<semaphore_mem>>) src(%dma_wait3A_239 : memref<128x64xf32, #tpu.memory_space<vmem>>) dst(%dma_wait3A_235 : memref<128x64xf32, #tpu.memory_space<vmem_shared>>)
      %dma_wait3A_240 = arith.constant 3 : i32
      %dma_wait3A_241 = arith.constant 0 : i32
      %dma_wait3A_242 = arith.constant 0 : i32
      %dma_wait3A_243 = tpu.memref_slice %arg9[%dma_wait3A_240, %dma_wait3A_241, %dma_wait3A_242] : memref<4x128x64xf32, #tpu.memory_space<vmem>> -> memref<1x128x64xf32, #tpu.memory_space<vmem>>
      %dma_wait3A_244 = tpu.memref_squeeze %dma_wait3A_243 : memref<1x128x64xf32, #tpu.memory_space<vmem>> -> memref<128x64xf32, #tpu.memory_space<vmem>>
      %dma_wait3A_245 = arith.constant 0 : i32
      %dma_wait3A_246 = arith.constant 0 : i32
      %dma_wait3A_247 = tpu.memref_slice %arg11[%dma_wait3A_245, %dma_wait3A_246] : memref<10112x64xf32, #tpu.memory_space<vmem_shared>> -> memref<128x64xf32, #tpu.memory_space<vmem_shared>>
      %dma_wait3A_248 = arith.constant 0 : i32
      %dma_wait3A_249 = arith.constant 0 : i32
      %dma_wait3A_250 = tpu.memref_slice %arg11[%dma_wait3A_248, %dma_wait3A_249] : memref<10112x64xf32, #tpu.memory_space<vmem_shared>> -> memref<128x64xf32, #tpu.memory_space<vmem_shared>>
      %dma_wait3A_251 = arith.constant 0 : i32
      %dma_wait3A_252 = arith.constant 0 : i32
      %dma_wait3A_253 = tpu.memref_slice %arg9[%dma_wait3A_240, %dma_wait3A_251, %dma_wait3A_252] : memref<4x128x64xf32, #tpu.memory_space<vmem>> -> memref<1x128x64xf32, #tpu.memory_space<vmem>>
      %dma_wait3A_254 = tpu.memref_squeeze %dma_wait3A_253 : memref<1x128x64xf32, #tpu.memory_space<vmem>> -> memref<128x64xf32, #tpu.memory_space<vmem>>
      tpu.wait_dma2 semaphore(%arg19 : memref<!tpu.dma_semaphore, #tpu.memory_space<semaphore_mem>>) src(%dma_wait3A_254 : memref<128x64xf32, #tpu.memory_space<vmem>>) dst(%dma_wait3A_250 : memref<128x64xf32, #tpu.memory_space<vmem_shared>>)
    }
    %scan3A_15 = arith.constant 4 : i32
    %barrier3A_16 = arith.constant 0 : index
    tpu.barrier barrier_id(%barrier3A_16)
    %mul3A_17 = arith.constant 624 : i32
    %mul3A_18 = arith.muli %arg1, %mul3A_17 : i32
    %mul3A_19 = arith.constant 10000 : i32
    %mul3A_20 = arith.muli %arg0, %mul3A_19 : i32
    %mul3A_21 = arith.constant 624 : i32
    %mul3A_22 = arith.muli %arg1, %mul3A_21 : i32
    %add3A_23 = arith.addi %mul3A_20, %mul3A_22 : i32
    "tpu.region"() ({
      %run_scoped3A = tpu.sem_alloc : memref<!tpu.dma_semaphore, #tpu.memory_space<semaphore_mem>>
      %dma_start3A = arith.constant 0 : i32
      %dma_start3A_29 = tpu.memref_slice %arg6[%add3A_23, %dma_start3A] : memref<20000x64xf32, #tpu.memory_space<hbm>> -> memref<624x64xf32, #tpu.memory_space<hbm>>
      %dma_start3A_30 = arith.constant 0 : i32
      %dma_start3A_31 = tpu.memref_slice %arg11[%mul3A_18, %dma_start3A_30] : memref<10112x64xf32, #tpu.memory_space<vmem_shared>> -> memref<624x64xf32, #tpu.memory_space<vmem_shared>>
      tpu.enqueue_dma source(%dma_start3A_31 : memref<624x64xf32, #tpu.memory_space<vmem_shared>>) target(%dma_start3A_29 : memref<624x64xf32, #tpu.memory_space<hbm>>) target_semaphore(%run_scoped3A : memref<!tpu.dma_semaphore, #tpu.memory_space<semaphore_mem>>)
      %dma_wait3A = arith.constant 0 : i32
      %dma_wait3A_32 = tpu.memref_slice %arg6[%add3A_23, %dma_wait3A] : memref<20000x64xf32, #tpu.memory_space<hbm>> -> memref<624x64xf32, #tpu.memory_space<hbm>>
      %dma_wait3A_33 = arith.constant 0 : i32
      %dma_wait3A_34 = tpu.memref_slice %arg11[%mul3A_18, %dma_wait3A_33] : memref<10112x64xf32, #tpu.memory_space<vmem_shared>> -> memref<624x64xf32, #tpu.memory_space<vmem_shared>>
      tpu.wait_dma2 semaphore(%run_scoped3A : memref<!tpu.dma_semaphore, #tpu.memory_space<semaphore_mem>>) src(%dma_wait3A_34 : memref<624x64xf32, #tpu.memory_space<vmem_shared>>) dst(%dma_wait3A_32 : memref<624x64xf32, #tpu.memory_space<hbm>>)
      tpu.yield
    }) : () -> ()
    %eq3A_24 = arith.constant 0 : i32
    %eq3A_25 = arith.cmpi eq, %arg1, %eq3A_24 : i32
    %convert_element_type3A_26 = arith.extui %eq3A_25 : i1 to i32
    %cond3A_27 = arith.constant 0 : i32
    %cond3A_28 = arith.cmpi ne, %convert_element_type3A_26, %cond3A_27 : i32
    scf.if %cond3A_28 {
      %mul3A_29 = arith.constant 10000 : i32
      %mul3A_30 = arith.muli %arg0, %mul3A_29 : i32
      %add3A_31 = arith.constant 9984 : i32
      %add3A_32 = arith.addi %mul3A_30, %add3A_31 : i32
      "tpu.region"() ({
        %run_scoped3A = tpu.sem_alloc : memref<!tpu.dma_semaphore, #tpu.memory_space<semaphore_mem>>
        %dma_start3A = arith.constant 0 : i32
        %dma_start3A_33 = tpu.memref_slice %arg6[%add3A_32, %dma_start3A] : memref<20000x64xf32, #tpu.memory_space<hbm>> -> memref<16x64xf32, #tpu.memory_space<hbm>>
        %dma_start3A_34 = arith.constant 9984 : i32
        %dma_start3A_35 = arith.constant 0 : i32
        %dma_start3A_36 = tpu.memref_slice %arg11[%dma_start3A_34, %dma_start3A_35] : memref<10112x64xf32, #tpu.memory_space<vmem_shared>> -> memref<16x64xf32, #tpu.memory_space<vmem_shared>>
        tpu.enqueue_dma source(%dma_start3A_36 : memref<16x64xf32, #tpu.memory_space<vmem_shared>>) target(%dma_start3A_33 : memref<16x64xf32, #tpu.memory_space<hbm>>) target_semaphore(%run_scoped3A : memref<!tpu.dma_semaphore, #tpu.memory_space<semaphore_mem>>)
        %dma_wait3A = arith.constant 0 : i32
        %dma_wait3A_37 = tpu.memref_slice %arg6[%add3A_32, %dma_wait3A] : memref<20000x64xf32, #tpu.memory_space<hbm>> -> memref<16x64xf32, #tpu.memory_space<hbm>>
        %dma_wait3A_38 = arith.constant 9984 : i32
        %dma_wait3A_39 = arith.constant 0 : i32
        %dma_wait3A_40 = tpu.memref_slice %arg11[%dma_wait3A_38, %dma_wait3A_39] : memref<10112x64xf32, #tpu.memory_space<vmem_shared>> -> memref<16x64xf32, #tpu.memory_space<vmem_shared>>
        tpu.wait_dma2 semaphore(%run_scoped3A : memref<!tpu.dma_semaphore, #tpu.memory_space<semaphore_mem>>) src(%dma_wait3A_40 : memref<16x64xf32, #tpu.memory_space<vmem_shared>>) dst(%dma_wait3A_37 : memref<16x64xf32, #tpu.memory_space<hbm>>)
        tpu.yield
      }) : () -> ()
    } else {
    }
    return
  }
}

module attributes {stable_mosaic.version = 14 : i64} {
  func.func @_mlp_body(%arg0: i32, %arg1: memref<1000x128xf32, #tpu.memory_space<vmem>>, %arg2: memref<1000x64xf32, #tpu.memory_space<vmem>>, %arg3: memref<1000x64xf32, #tpu.memory_space<vmem>>, %arg4: memref<1x1xf32, #tpu.memory_space<smem>>, %arg5: memref<128x64xf32, #tpu.memory_space<vmem>>, %arg6: memref<1x64xf32, #tpu.memory_space<vmem>>, %arg7: memref<1x64xf32, #tpu.memory_space<vmem>>, %arg8: memref<1x64xf32, #tpu.memory_space<vmem>>, %arg9: memref<64x64xf32, #tpu.memory_space<vmem>>, %arg10: memref<1x64xf32, #tpu.memory_space<vmem>>, %arg11: memref<1x64xf32, #tpu.memory_space<vmem>>, %arg12: memref<1x64xf32, #tpu.memory_space<vmem>>, %arg13: memref<64x128xf32, #tpu.memory_space<vmem>>, %arg14: memref<1x128xf32, #tpu.memory_space<vmem>>, %arg15: memref<1000x128xf32, #tpu.memory_space<vmem>>) attributes {dimension_semantics = [#tpu.dimension_semantics<arbitrary>], iteration_bounds = array<i64: 10>, scalar_prefetch = 0 : i64, scratch_operands = 0 : i64, tpu.core_type = #tpu.core_type<tc>, window_params = [{transform_indices = @transform_0, window_bounds = array<i64: 1000, 128>}, {transform_indices = @transform_1, window_bounds = array<i64: 1000, 64>}, {transform_indices = @transform_2, window_bounds = array<i64: 1000, 64>}, {transform_indices = @transform_3, window_bounds = array<i64: 1, 1>}, {pipeline_mode = #tpu.pipeline_mode<synchronous>, transform_indices = @transform_4, window_bounds = array<i64: 128, 64>}, {pipeline_mode = #tpu.pipeline_mode<synchronous>, transform_indices = @transform_5, window_bounds = array<i64: 1, 64>}, {pipeline_mode = #tpu.pipeline_mode<synchronous>, transform_indices = @transform_6, window_bounds = array<i64: 1, 64>}, {pipeline_mode = #tpu.pipeline_mode<synchronous>, transform_indices = @transform_7, window_bounds = array<i64: 1, 64>}, {pipeline_mode = #tpu.pipeline_mode<synchronous>, transform_indices = @transform_8, window_bounds = array<i64: 64, 64>}, {pipeline_mode = #tpu.pipeline_mode<synchronous>, transform_indices = @transform_9, window_bounds = array<i64: 1, 64>}, {pipeline_mode = #tpu.pipeline_mode<synchronous>, transform_indices = @transform_10, window_bounds = array<i64: 1, 64>}, {pipeline_mode = #tpu.pipeline_mode<synchronous>, transform_indices = @transform_11, window_bounds = array<i64: 1, 64>}, {pipeline_mode = #tpu.pipeline_mode<synchronous>, transform_indices = @transform_12, window_bounds = array<i64: 64, 128>}, {pipeline_mode = #tpu.pipeline_mode<synchronous>, transform_indices = @transform_13, window_bounds = array<i64: 1, 128>}, {transform_indices = @transform_14, window_bounds = array<i64: 1000, 128>}]} {
    %get3A = arith.constant 0 : index
    %get3A_0 = arith.constant 0 : index
    %get3A_1 = memref.load %arg4[%get3A, %get3A_0] : memref<1x1xf32, #tpu.memory_space<smem>>
    %add3A = arith.constant 2.000000e+00 : f32
    %add3A_2 = arith.addf %add3A, %get3A_1 : f32
    %get3A_3 = arith.constant 0 : index
    %get3A_4 = arith.constant 0 : index
    %get3A_5 = vector.load %arg2[%get3A_3, %get3A_4] : memref<1000x64xf32, #tpu.memory_space<vmem>>, vector<1000x64xf32>
    %get3A_6 = arith.constant 0 : index
    %get3A_7 = arith.constant 0 : index
    %get3A_8 = vector.load %arg3[%get3A_6, %get3A_7] : memref<1000x64xf32, #tpu.memory_space<vmem>>, vector<1000x64xf32>
    %concatenate3A = tpu.concatenate %get3A_5, %get3A_8 in 1 : vector<1000x64xf32>, vector<1000x64xf32> -> vector<1000x128xf32>
    %get3A_9 = arith.constant 0 : index
    %get3A_10 = arith.constant 0 : index
    %get3A_11 = vector.load %arg1[%get3A_9, %get3A_10] : memref<1000x128xf32, #tpu.memory_space<vmem>>, vector<1000x128xf32>
    %mul3A = vector.broadcast %add3A_2 : f32 to vector<1000x128xf32>
    %mul3A_12 = arith.mulf %mul3A, %get3A_11 : vector<1000x128xf32>
    %add3A_13 = arith.addf %mul3A_12, %concatenate3A : vector<1000x128xf32>
    %get3A_14 = arith.constant 0 : index
    %get3A_15 = arith.constant 0 : index
    %get3A_16 = vector.load %arg5[%get3A_14, %get3A_15] : memref<128x64xf32, #tpu.memory_space<vmem>>, vector<128x64xf32>
    %dot_general3A = arith.constant dense<0.000000e+00> : vector<1000x64xf32>
    %dot_general3A_17 = tpu.matmul %add3A_13, %get3A_16, %dot_general3A {dimension_numbers = #tpu.dot_dimension_numbers<[1], [0], [0], [1], [0, 0, 1, 1], [], []>, transpose_lhs_hint = false} : vector<1000x128xf32>, vector<128x64xf32>, vector<1000x64xf32> -> vector<1000x64xf32>
    %get3A_18 = arith.constant 0 : index
    %get3A_19 = arith.constant 0 : index
    %get3A_20 = vector.load %arg6[%get3A_18, %get3A_19] : memref<1x64xf32, #tpu.memory_space<vmem>>, vector<1x64xf32>
    %add3A_21 = vector.broadcast %get3A_20 : vector<1x64xf32> to vector<1000x64xf32>
    %add3A_22 = arith.addf %dot_general3A_17, %add3A_21 : vector<1000x64xf32>
    %reduce_sum3A = arith.constant dense<0.000000e+00> : vector<1000xf32>
    %reduce_sum3A_23 = vector.multi_reduction <add>, %add3A_22, %reduce_sum3A [1] : vector<1000x64xf32> to vector<1000xf32>
    %broadcast_in_dim3A = vector.shape_cast %reduce_sum3A_23 : vector<1000xf32> to vector<1000x1xf32>
    %div3A = arith.constant 6.400000e+01 : f32
    %div3A_24 = vector.broadcast %div3A : f32 to vector<1000x1xf32>
    %div3A_25 = arith.divf %broadcast_in_dim3A, %div3A_24 : vector<1000x1xf32>
    %sub3A = vector.broadcast %div3A_25 : vector<1000x1xf32> to vector<1000x64xf32>
    %sub3A_26 = arith.subf %add3A_22, %sub3A : vector<1000x64xf32>
    %mul3A_27 = arith.mulf %sub3A_26, %sub3A_26 : vector<1000x64xf32>
    %reduce_sum3A_28 = arith.constant dense<0.000000e+00> : vector<1000xf32>
    %reduce_sum3A_29 = vector.multi_reduction <add>, %mul3A_27, %reduce_sum3A_28 [1] : vector<1000x64xf32> to vector<1000xf32>
    %broadcast_in_dim3A_30 = vector.shape_cast %reduce_sum3A_29 : vector<1000xf32> to vector<1000x1xf32>
    %div3A_31 = arith.constant 6.400000e+01 : f32
    %div3A_32 = vector.broadcast %div3A_31 : f32 to vector<1000x1xf32>
    %div3A_33 = arith.divf %broadcast_in_dim3A_30, %div3A_32 : vector<1000x1xf32>
    %add3A_34 = arith.constant 9.99999974E-6 : f32
    %add3A_35 = vector.broadcast %add3A_34 : f32 to vector<1000x1xf32>
    %add3A_36 = arith.addf %div3A_33, %add3A_35 : vector<1000x1xf32>
    %rsqrt3A = math.rsqrt %add3A_36 : vector<1000x1xf32>
    %mul3A_37 = vector.broadcast %rsqrt3A : vector<1000x1xf32> to vector<1000x64xf32>
    %mul3A_38 = arith.mulf %sub3A_26, %mul3A_37 : vector<1000x64xf32>
    %get3A_39 = arith.constant 0 : index
    %get3A_40 = arith.constant 0 : index
    %get3A_41 = vector.load %arg7[%get3A_39, %get3A_40] : memref<1x64xf32, #tpu.memory_space<vmem>>, vector<1x64xf32>
    %mul3A_42 = vector.broadcast %get3A_41 : vector<1x64xf32> to vector<1000x64xf32>
    %mul3A_43 = arith.mulf %mul3A_38, %mul3A_42 : vector<1000x64xf32>
    %get3A_44 = arith.constant 0 : index
    %get3A_45 = arith.constant 0 : index
    %get3A_46 = vector.load %arg8[%get3A_44, %get3A_45] : memref<1x64xf32, #tpu.memory_space<vmem>>, vector<1x64xf32>
    %add3A_47 = vector.broadcast %get3A_46 : vector<1x64xf32> to vector<1000x64xf32>
    %add3A_48 = arith.addf %mul3A_43, %add3A_47 : vector<1000x64xf32>
    %max3A = arith.constant 0.000000e+00 : f32
    %max3A_49 = vector.broadcast %max3A : f32 to vector<1000x64xf32>
    %max3A_50 = arith.maximumf %add3A_48, %max3A_49 : vector<1000x64xf32>
    %get3A_51 = arith.constant 0 : index
    %get3A_52 = arith.constant 0 : index
    %get3A_53 = vector.load %arg9[%get3A_51, %get3A_52] : memref<64x64xf32, #tpu.memory_space<vmem>>, vector<64x64xf32>
    %dot_general3A_54 = arith.constant dense<0.000000e+00> : vector<1000x64xf32>
    %dot_general3A_55 = tpu.matmul %max3A_50, %get3A_53, %dot_general3A_54 {dimension_numbers = #tpu.dot_dimension_numbers<[1], [0], [0], [1], [0, 0, 1, 1], [], []>, transpose_lhs_hint = false} : vector<1000x64xf32>, vector<64x64xf32>, vector<1000x64xf32> -> vector<1000x64xf32>
    %get3A_56 = arith.constant 0 : index
    %get3A_57 = arith.constant 0 : index
    %get3A_58 = vector.load %arg10[%get3A_56, %get3A_57] : memref<1x64xf32, #tpu.memory_space<vmem>>, vector<1x64xf32>
    %add3A_59 = vector.broadcast %get3A_58 : vector<1x64xf32> to vector<1000x64xf32>
    %add3A_60 = arith.addf %dot_general3A_55, %add3A_59 : vector<1000x64xf32>
    %reduce_sum3A_61 = arith.constant dense<0.000000e+00> : vector<1000xf32>
    %reduce_sum3A_62 = vector.multi_reduction <add>, %add3A_60, %reduce_sum3A_61 [1] : vector<1000x64xf32> to vector<1000xf32>
    %broadcast_in_dim3A_63 = vector.shape_cast %reduce_sum3A_62 : vector<1000xf32> to vector<1000x1xf32>
    %div3A_64 = arith.constant 6.400000e+01 : f32
    %div3A_65 = vector.broadcast %div3A_64 : f32 to vector<1000x1xf32>
    %div3A_66 = arith.divf %broadcast_in_dim3A_63, %div3A_65 : vector<1000x1xf32>
    %sub3A_67 = vector.broadcast %div3A_66 : vector<1000x1xf32> to vector<1000x64xf32>
    %sub3A_68 = arith.subf %add3A_60, %sub3A_67 : vector<1000x64xf32>
    %mul3A_69 = arith.mulf %sub3A_68, %sub3A_68 : vector<1000x64xf32>
    %reduce_sum3A_70 = arith.constant dense<0.000000e+00> : vector<1000xf32>
    %reduce_sum3A_71 = vector.multi_reduction <add>, %mul3A_69, %reduce_sum3A_70 [1] : vector<1000x64xf32> to vector<1000xf32>
    %broadcast_in_dim3A_72 = vector.shape_cast %reduce_sum3A_71 : vector<1000xf32> to vector<1000x1xf32>
    %div3A_73 = arith.constant 6.400000e+01 : f32
    %div3A_74 = vector.broadcast %div3A_73 : f32 to vector<1000x1xf32>
    %div3A_75 = arith.divf %broadcast_in_dim3A_72, %div3A_74 : vector<1000x1xf32>
    %add3A_76 = arith.constant 9.99999974E-6 : f32
    %add3A_77 = vector.broadcast %add3A_76 : f32 to vector<1000x1xf32>
    %add3A_78 = arith.addf %div3A_75, %add3A_77 : vector<1000x1xf32>
    %rsqrt3A_79 = math.rsqrt %add3A_78 : vector<1000x1xf32>
    %mul3A_80 = vector.broadcast %rsqrt3A_79 : vector<1000x1xf32> to vector<1000x64xf32>
    %mul3A_81 = arith.mulf %sub3A_68, %mul3A_80 : vector<1000x64xf32>
    %get3A_82 = arith.constant 0 : index
    %get3A_83 = arith.constant 0 : index
    %get3A_84 = vector.load %arg11[%get3A_82, %get3A_83] : memref<1x64xf32, #tpu.memory_space<vmem>>, vector<1x64xf32>
    %mul3A_85 = vector.broadcast %get3A_84 : vector<1x64xf32> to vector<1000x64xf32>
    %mul3A_86 = arith.mulf %mul3A_81, %mul3A_85 : vector<1000x64xf32>
    %get3A_87 = arith.constant 0 : index
    %get3A_88 = arith.constant 0 : index
    %get3A_89 = vector.load %arg12[%get3A_87, %get3A_88] : memref<1x64xf32, #tpu.memory_space<vmem>>, vector<1x64xf32>
    %add3A_90 = vector.broadcast %get3A_89 : vector<1x64xf32> to vector<1000x64xf32>
    %add3A_91 = arith.addf %mul3A_86, %add3A_90 : vector<1000x64xf32>
    %max3A_92 = arith.constant 0.000000e+00 : f32
    %max3A_93 = vector.broadcast %max3A_92 : f32 to vector<1000x64xf32>
    %max3A_94 = arith.maximumf %add3A_91, %max3A_93 : vector<1000x64xf32>
    %get3A_95 = arith.constant 0 : index
    %get3A_96 = arith.constant 0 : index
    %get3A_97 = vector.load %arg13[%get3A_95, %get3A_96] : memref<64x128xf32, #tpu.memory_space<vmem>>, vector<64x128xf32>
    %dot_general3A_98 = arith.constant dense<0.000000e+00> : vector<1000x128xf32>
    %dot_general3A_99 = tpu.matmul %max3A_94, %get3A_97, %dot_general3A_98 {dimension_numbers = #tpu.dot_dimension_numbers<[1], [0], [0], [1], [0, 0, 1, 1], [], []>, transpose_lhs_hint = false} : vector<1000x64xf32>, vector<64x128xf32>, vector<1000x128xf32> -> vector<1000x128xf32>
    %get3A_100 = arith.constant 0 : index
    %get3A_101 = arith.constant 0 : index
    %get3A_102 = vector.load %arg14[%get3A_100, %get3A_101] : memref<1x128xf32, #tpu.memory_space<vmem>>, vector<1x128xf32>
    %add3A_103 = vector.broadcast %get3A_102 : vector<1x128xf32> to vector<1000x128xf32>
    %add3A_104 = arith.addf %dot_general3A_99, %add3A_103 : vector<1000x128xf32>
    %swap3A = arith.constant 0 : index
    %swap3A_105 = arith.constant 0 : index
    %swap3A_106 = vector.load %arg15[%swap3A, %swap3A_105] : memref<1000x128xf32, #tpu.memory_space<vmem>>, vector<1000x128xf32>
    tpu.vector_store %arg15[%swap3A, %swap3A_105], %add3A_104 {strides = array<i32>} : memref<1000x128xf32, #tpu.memory_space<vmem>>, vector<1000x128xf32>,
    return
  }
  func.func @transform_0(%arg0: i32) -> (i32, i32) {
    %c0_i32 = arith.constant 0 : i32
    %c0_i32_0 = arith.constant 0 : i32
    return %arg0, %c0_i32 : i32, i32
  }
  func.func @transform_1(%arg0: i32) -> (i32, i32) {
    %c0_i32 = arith.constant 0 : i32
    %c0_i32_0 = arith.constant 0 : i32
    return %arg0, %c0_i32 : i32, i32
  }
  func.func @transform_2(%arg0: i32) -> (i32, i32) {
    %add3A = arith.constant 10 : i32
    %add3A_0 = arith.addi %add3A, %arg0 : i32
    %c0_i32 = arith.constant 0 : i32
    %c0_i32_1 = arith.constant 0 : i32
    return %add3A_0, %c0_i32 : i32, i32
  }
  func.func @transform_3(%arg0: i32) -> (i32, i32) {
    %c0_i32 = arith.constant 0 : i32
    %c0_i32_0 = arith.constant 0 : i32
    %c0_i32_1 = arith.constant 0 : i32
    return %c0_i32, %c0_i32_0 : i32, i32
  }
  func.func @transform_4(%arg0: i32) -> (i32, i32) {
    %c0_i32 = arith.constant 0 : i32
    %c0_i32_0 = arith.constant 0 : i32
    %c0_i32_1 = arith.constant 0 : i32
    return %c0_i32, %c0_i32_0 : i32, i32
  }
  func.func @transform_5(%arg0: i32) -> (i32, i32) {
    %c0_i32 = arith.constant 0 : i32
    %c0_i32_0 = arith.constant 0 : i32
    %c0_i32_1 = arith.constant 0 : i32
    return %c0_i32, %c0_i32_0 : i32, i32
  }
  func.func @transform_6(%arg0: i32) -> (i32, i32) {
    %c0_i32 = arith.constant 0 : i32
    %c0_i32_0 = arith.constant 0 : i32
    %c0_i32_1 = arith.constant 0 : i32
    return %c0_i32, %c0_i32_0 : i32, i32
  }
  func.func @transform_7(%arg0: i32) -> (i32, i32) {
    %c0_i32 = arith.constant 0 : i32
    %c0_i32_0 = arith.constant 0 : i32
    %c0_i32_1 = arith.constant 0 : i32
    return %c0_i32, %c0_i32_0 : i32, i32
  }
  func.func @transform_8(%arg0: i32) -> (i32, i32) {
    %c0_i32 = arith.constant 0 : i32
    %c0_i32_0 = arith.constant 0 : i32
    %c0_i32_1 = arith.constant 0 : i32
    return %c0_i32, %c0_i32_0 : i32, i32
  }
  func.func @transform_9(%arg0: i32) -> (i32, i32) {
    %c0_i32 = arith.constant 0 : i32
    %c0_i32_0 = arith.constant 0 : i32
    %c0_i32_1 = arith.constant 0 : i32
    return %c0_i32, %c0_i32_0 : i32, i32
  }
  func.func @transform_10(%arg0: i32) -> (i32, i32) {
    %c0_i32 = arith.constant 0 : i32
    %c0_i32_0 = arith.constant 0 : i32
    %c0_i32_1 = arith.constant 0 : i32
    return %c0_i32, %c0_i32_0 : i32, i32
  }
  func.func @transform_11(%arg0: i32) -> (i32, i32) {
    %c0_i32 = arith.constant 0 : i32
    %c0_i32_0 = arith.constant 0 : i32
    %c0_i32_1 = arith.constant 0 : i32
    return %c0_i32, %c0_i32_0 : i32, i32
  }
  func.func @transform_12(%arg0: i32) -> (i32, i32) {
    %c0_i32 = arith.constant 0 : i32
    %c0_i32_0 = arith.constant 0 : i32
    %c0_i32_1 = arith.constant 0 : i32
    return %c0_i32, %c0_i32_0 : i32, i32
  }
  func.func @transform_13(%arg0: i32) -> (i32, i32) {
    %c0_i32 = arith.constant 0 : i32
    %c0_i32_0 = arith.constant 0 : i32
    %c0_i32_1 = arith.constant 0 : i32
    return %c0_i32, %c0_i32_0 : i32, i32
  }
  func.func @transform_14(%arg0: i32) -> (i32, i32) {
    %c0_i32 = arith.constant 0 : i32
    %c0_i32_0 = arith.constant 0 : i32
    return %arg0, %c0_i32 : i32, i32
  }
}

</mosaic_0001>

<sc_bundles>
// kernel: kernel.4.cloned.1.call-start
scs
__scs_entry_jumppad:
0x0: {  	(pc) =	sbr.rel $0x88, $3  }
0x1: {  	(tag) =	ssettag $0x0;
	lr =	simm.s32 $0x1  }
0x2: {  	[smem:$0x3F94] =	sst lr;
	_ =	strace $0xD0000000  }
0x3: {  	_ = 	snop  }
0x4: {  	_ = 	snop  }
0x5: {  	_ = 	snop  }
0x6: {  	_ = 	snop  }
0x7: {  	_ = 	snop  }
__scs_overlays_trampoline_lowered:
0x8: {  	[smem:$0x3FA3] =	sst s0  }
0x9: {  	[smem:$0x3FA4] =	sst s1  }
0xa: {  	[smem:$0x3FA5] =	sst s2  }
0xb: {  	[smem:$0x3FA6] =	sst s3  }
0xc: {  	[smem:$0x3FA7] =	sst s4  }
0xd: {  	[smem:$0x3FA8] =	sst s5  }
0xe: {  	[smem:$0x3FA9] =	sst s6  }
0xf: {  	[smem:$0x3FAA] =	sst s7  }
0x10: {  	[smem:$0x3FAB] =	sst s8  }
0x11: {  	[smem:$0x3FAC] =	sst s9;
	s0 =	simm.s32 @!p0 $0x0  }
0x12: {  	s1 =	sld [smem:$0x3F92];
	s0 =	simm.s32 @p0 $0x1  }
0x13: {  	[smem:$0x3FAD] =	sst s0;
	s0 =	simm.s32 @!p1 $0x0  }
0x14: {  	s2 =	sld [smem:$0x3F91];
	s0 =	simm.s32 @p1 $0x1  }
0x15: {  	[smem:$0x3FAE] =	sst s0;
	s0 =	simm.s32 @!p2 $0x0  }
0x16: {  	s3 =	sld [smem:$0x3FDB];
	s0 =	simm.s32 @p2 $0x1  }
0x17: {  	s4 =	simm.s32 $0x1BF5;
	[smem:$0x3FB0] =	sst s0  }
0x18: {  	s0 =	sld [smem:$0x3F93];
	_ =	swait.ge [sflag:s4], $0x0  }
0x19: {  	s7 =	sld [smem:$0x3F94]  }
0x1a: {  	s8 =	sadd.s32 $0xFFFFE003, lr  }
0x1b: {  	s9 =	sadd.s32 $0xFFFFFEF7, lr;
	s5 =	simm.s32 $0xFFFFFFFF;
	p2 =	slt.u32 s8, $0xFFFFF086  }
0x1c: {  	p1 =	slt.u32 s9, $0xF7A;
	s5 =	simm.s32 @!p2 $0x0  }
0x1d: {  	s5 =	simm.s32 @p1 $0x1;
	p0 =	seq.s32 s7, s2  }
0x1e: {  	s7 =	smul.u32 @!p0 $0xF7A, s2;
	p2 =	seq.s32 @!p0 s5, $0x0  }
0x1f: {  	s9 =	smul.u32 $0xF7A, s1;
	s8 =	simm.s32 @!p0 $0x1BF5;
	p2 =	por !p2, p0  }
0x20: {  	[sflag:s8] =	ssyncset.s32 @!p0 $0xFFFFF086;
	s6 =	sadd.s32 @!p0 s3, s7;
	s7 =	simm.s32 @!p0 $0x108  }
0x21: {  	s3 =	sadd.s32 s3, s9;
	s6 =	sadd.s32 @!p0 $0x88, s6;
	s7 =	simm.s32 @p2 $0x1082  }
0x22: {  	[simem:s7], [sflag:s8] =	dma.local @!p0 [hbm:s6], $0xF7A  }
0x23: {  	s9 =	sor.u32 $0xD0000000, s2;
	s6 =	simm.s32 $0x108;
	_ =	swait.ge @!p0 [sflag:s8], $0x0  }
0x24: {  	s3 =	sadd.s32 $0x88, s3;
	s6 =	simm.s32 @!p1 $0x1082;
	[sflag:s4] =	ssyncset.s32 $0xFFFFF086  }
0x25: {  	[simem:s6], [sflag:s4] =	dma.local [hbm:s3], $0xF7A  }
0x26: {  	[smem:$0x3F94] =	sst s1;
	(tag) =	ssettag s2;
	_ =	strace s9  }
0x27: {  	s1 =	sld [smem:$0x3FA4]  }
0x28: {  	s2 =	sld [smem:$0x3FA5]  }
0x29: {  	s4 =	sld [smem:$0x3FA7]  }
0x2a: {  	p0 =	seq.s32 s5, $0x0;
	s5 =	sld [smem:$0x3FA8]  }
0x2b: {  	s6 =	sld [smem:$0x3FA9]  }
0x2c: {  	s7 =	sld [smem:$0x3FAA]  }
0x2d: {  	s3 =	simm.s32 $0x108;
	s8 =	sld [smem:$0x3FAB]  }
0x2e: {  	s3 =	simm.s32 @!p0 $0x1082;
	s9 =	sld [smem:$0x3FAC]  }
0x2f: {  	lr =	sadd.s32 s0, s3;
	s0 =	sld [smem:$0x3FA3]  }
0x30: {  	s3 =	sld [smem:$0x3FA6]  }
0x31: {  	[smem:$0x3FAF] =	sst s10  }
0x32: {  	s10 =	sld [smem:$0x3FAD];
	_ =	sdelay $0x3  }
0x33: {  	p0 =	seq.s32 s10, $0x1;
	s10 =	sld [smem:$0x3FAF];
	_ =	sdelay $0x3  }
0x34: {  	[smem:$0x3FAF] =	sst s10  }
0x35: {  	s10 =	sld [smem:$0x3FAE];
	_ =	sdelay $0x3  }
0x36: {  	p1 =	seq.s32 s10, $0x1;
	s10 =	sld [smem:$0x3FAF];
	_ =	sdelay $0x3  }
0x37: {  	[smem:$0x3FAF] =	sst s10  }
0x38: {  	s10 =	sld [smem:$0x3FB0]  }
0x39: {  	_ = 	snop;
	(pc) =	sbr.ind lr, $3  }
0x3a: {  	_ = 	snop  }
0x3b: {  	_ = 	snop  }
0x3c: {  	p2 =	seq.s32 s10, $0x1;
	s10 =	sld [smem:$0x3FAF]  }
0x3d: {  	_ =	shalt  }
0x3e: {  	_ =	shalt  }
0x3f: {  	_ =	shalt  }
0x40: {  	_ =	shalt  }
0x41: {  	_ =	shalt  }
0x42: {  	_ =	shalt  }
0x43: {  	_ =	shalt  }
0x44: {  	_ =	shalt  }
0x45: {  	_ =	shalt  }
0x46: {  	_ =	shalt  }
0x47: {  	_ =	shalt  }
0x48: {  	_ =	shalt  }
0x49: {  	_ =	shalt  }
0x4a: {  	_ =	shalt  }
0x4b: {  	_ =	shalt  }
0x4c: {  	_ =	shalt  }
0x4d: {  	_ =	shalt  }
0x4e: {  	_ =	shalt  }
0x4f: {  	_ =	shalt  }
0x50: {  	_ =	shalt  }
0x51: {  	_ =	shalt  }
0x52: {  	_ =	shalt  }
0x53: {  	_ =	shalt  }
0x54: {  	_ =	shalt  }
0x55: {  	_ =	shalt  }
0x56: {  	_ =	shalt  }
0x57: {  	_ =	shalt  }
0x58: {  	_ =	shalt  }
0x59: {  	_ =	shalt  }
0x5a: {  	_ =	shalt  }
0x5b: {  	_ =	shalt  }
0x5c: {  	_ =	shalt  }
0x5d: {  	_ =	shalt  }
0x5e: {  	_ =	shalt  }
0x5f: {  	_ =	shalt  }
0x60: {  	_ =	shalt  }
0x61: {  	_ =	shalt  }
0x62: {  	_ =	shalt  }
0x63: {  	_ =	shalt  }
0x64: {  	_ =	shalt  }
0x65: {  	_ =	shalt  }
0x66: {  	_ =	shalt  }
0x67: {  	_ =	shalt  }
0x68: {  	_ =	shalt  }
0x69: {  	_ =	shalt  }
0x6a: {  	_ =	shalt  }
0x6b: {  	_ =	shalt  }
0x6c: {  	_ =	shalt  }
0x6d: {  	_ =	shalt  }
0x6e: {  	_ =	shalt  }
0x6f: {  	_ =	shalt  }
0x70: {  	_ =	shalt  }
0x71: {  	_ =	shalt  }
0x72: {  	_ =	shalt  }
0x73: {  	_ =	shalt  }
0x74: {  	_ =	shalt  }
0x75: {  	_ =	shalt  }
0x76: {  	_ =	shalt  }
0x77: {  	_ =	shalt  }
0x78: {  	_ =	shalt  }
0x79: {  	_ =	shalt  }
0x7a: {  	_ =	shalt  }
0x7b: {  	_ =	shalt  }
0x7c: {  	_ =	shalt  }
0x7d: {  	_ =	shalt  }
0x7e: {  	_ =	shalt  }
0x7f: {  	_ =	shalt  }
0x80: {  	_ =	shalt  }
0x81: {  	_ =	shalt  }
0x82: {  	_ =	shalt  }
0x83: {  	_ =	shalt  }
0x84: {  	_ =	shalt  }
0x85: {  	_ =	shalt  }
0x86: {  	_ =	shalt  }
0x87: {  	_ =	shalt  }
.Lfunc_end0:
.L_simem_size_0:
called_computation_lowered:
.L_overlay_start_0:
0x88: {  	s2 =	sld [smem:$0x3FD9]  }
0x89: {  	s3 =	sld [smem:$0x3FFE];
	_ =	sdelay $0x1  }
0x8a: {  	s1 =	srdreg.scid  }
0x8b: {  	s0 =	sand.u32 $0x1, s1  }
0x8c: {  	s17 =	sshll.u32 s0, $0xA;
	s2 =	sadd.s32 s3, s2  }
0x8d: {  	s2 =	sadd.s32 s2, s17  }
0x8e: {  	[smem:$0x3FBB] =	sst s2  }
0x8f: {  	_ = 	snop  }
0x90: {  	s2 =	sld [smem:$0x3FD0];
	(tm) =	ssettm $0x1  }
0x91: {  	s18 =	sld [smem:$0x3FFB];
	_ =	sdelay $0x3  }
0x92: {  	_ =	strace s18  }
0x93: {  	s3 =	sld [smem:$0x3FFC];
	_ =	sdelay $0x3  }
0x94: {  	_ =	strace s3  }
0x95: {  	s3 =	sld [smem:$0x3FFD];
	_ =	sdelay $0x3  }
0x96: {  	_ =	strace s3  }
0x97: {  	_ =	strace $0x8FFFFFFF  }
0x98: {  	s19 =	sld [smem:$0x3FDB];
	_ =	sdelay $0x1  }
0x99: {  	s4 =	simm.s32 $_scs_section_size  }
0x9a: {  	s5 =	simm.s32 $_size__tile_overlayer_lowered;
	s6 =	simm.s32 $_tile_overlayer_lowered  }
0x9b: {  	s22 =	simm.s32 $0x1BFF;
	s21 =	sshll.u32 s6, $0x1;
	s3 =	sadd.s32 s4, s19  }
0x9c: {  	s7 =	simm.s32 $0x0;
	s20 =	sshll.u32 s5, $0x1;
	s5 =	sadd.s32 s21, s3  }
0x9d: {  	[timem:s7], [sflag:s22] =	dma.local [hbm:s5], s20  }
0x9e: {  	_ =	swait.ge [sflag:s22], s20  }
0x9f: {  	s4 =	ssub.s32 $0x0, s20;
	[sflag:s22] =	ssyncset.done $0x0  }
0xa0: {  	[sflag:s22] =	ssyncadd.s32 s4;
	_ =	sdelay $0x1  }
0xa1: {  	s23 =	simm.s32 $0x1B8B  }
0xa2: {  	_ =	swait.ge [sflag:s23], $0x1  }
0xa3: {  	[sflag:s23] =	ssyncset.done $0x0  }
0xa4: {  	s25 =	simm.s32 $0x1B8E;
	s24 =	sld [smem:$0x3FFE];
	[sflag:s23] =	ssyncadd.s32 $0xFFFFFFFF  }
0xa5: {  	s26 =	simm.s32 $execute0_lowered;
	[smem:$0x3FD2] =	sst s25  }
0xa6: {  	s5 =	sshll.u32 s26, $0x1;
	_ =	strace $0x80000046;
	[dreg:$0x1] =	wrdreg $0xFFFFFFFF  }
0xa7: {  	s28 =	simm.s32 $_size_execute0_lowered;
	s3 =	sadd.s32 s3, s5;
	[dreg:$0x0] =	wrdreg $0x0  }
0xa8: {  	s5 =	sshll.u32 s28, $0x1;
	[dreg:$0x2] =	wrdreg s3  }
0xa9: {  	[dreg:$0x3] =	wrdreg s5  }
0xaa: {  	[dreg:$0x4] =	wrdreg $0xC0  }
0xab: {  	_ =	task [dreg:s7], $0x5FFFF  }
0xac: {  	[dreg:$0x1] =	wrdreg $0xFFFFFFFF  }
0xad: {  	[dreg:$0x0] =	wrdreg $0x60  }
0xae: {  	[dreg:$0x2] =	wrdreg s2  }
0xaf: {  	[dreg:$0x3] =	wrdreg s24  }
0xb0: {  	[dreg:$0x4] =	wrdreg $0xA8000  }
0xb1: {  	[dreg:$0x5] =	wrdreg $0x144400  }
0xb2: {  	[dreg:$0x6] =	wrdreg $0x9  }
0xb3: {  	_ =	task.clear_ibuf [dreg:s7], $0x7FFFF;
	_ =	strace $0x90000046  }
0xb4: {  	s29 =	simm.s32 $0x9;
	_ =	strace $0x80000048  }
0xb5: {  	_ =	swait.ge [sflag:s29], $0x1  }
0xb6: {  	[sflag:s29] =	ssyncadd.s32 $0xFFFFFFFF  }
0xb7: {  	_ =	strace $0x90000048  }
0xb8: {  	_ =	sfence  }
0xb9: {  	s30 =	sld [smem:$0x0];
	_ =	sdelay $0x2  }
0xba: {  	s31 =	sshll.u32 s1, $0xD;
	s1 =	sshrl.u32 s1, $0x2  }
0xbb: {  	s3 =	sand.u32 $0x4000, s31;
	s1 =	sadd.s32 s1, s30  }
0xbc: {  	s0 =	sor.u32 s3, s0;
	s1 =	sshll.u32 s1, $0x11  }
0xbd: {  	s0 =	sor.u32 s1, s0  }
0xbe: {  	s0 =	sadd.s32 $0x8F2B, s0  }
0xbf: {  	[sflag:s0] =	ssyncadd.remote.s32 $0x1  }
0xc0: {  	_ =	sfence.sel $0xFFFF  }
0xc1: {  	[dreg:$0x0] =	wrdreg $0xFFFFFFFF;
	(pc) =	sbr.abs _section_cstart, $3  }
0xc2: {  	[dreg:$0x1] =	wrdreg $0xFFFFFFFF  }
0xc3: {  	_ =	task.clear_ibuf [dreg:s7], $0x2FFFF;
	_ =	strace $0x9FFFFFFF  }
0xc4: {  	(tm) =	ssettm $0x7FFFFFFF  }
0xc5: {  	_ =	shalt  }
tec
execute0_lowered:
.L_overlay_start_1:
0x0: {  	(tag) =	ssettag $0x1  }
0x1: {  	s0 =	rddreg [dreg:$0x0]  }
0x2: {  	s6 =	rddreg [dreg:$0x1]  }
0x3: {  	s1 =	rddreg [dreg:$0x2]  }
0x4: {  	s2 =	rddreg [dreg:$0x3];
	s3 =	simm.s32 $0x0  }
0x5: {  	s8 =	stileid.u32;
	s4 =	srdreg.scid;
	s18 =	simm.s32 $0x1400  }
0x6: {  	s19 =	simm.s32 $0x80;
	s20 =	simm.s32 $0x2800;
	s21 =	simm.s32 $0x4800  }
0x7: {  	s28 =	simm.s32 $0x8800;
	s29 =	simm.s32 $0x1;
	s30 =	simm.s32 $0x2  }
0x8: {  	s31 =	simm.s32 $0x3;
	[smem:$0x7FF] =	sst s3;
	s9 =	smul.u32 $0x9E00, s8  }
0x9: {  	s7 =	sand.u32 $0x1, s4;
	s4 =	sadd.s32 $0xBC00, s6;
	s12 =	smul.u32 $0x270, s8  }
0xa: {  	s5 =	sadd.s32 $0x1C00, s6;
	s14 =	smul.u32 $0x9C00, s8;
	s25 =	sshll.u32 s8, $0x6  }
0xb: {  	p0 =	sne.s32 s8, $0x0;
	_ =	strace $0x80000047;
	s11 =	smul.u32 $0x2710, s7  }
0xc: {  	s13 =	ssub.s32 $0x2, s7;
	s7 =	smul.u32 $0x9C400, s7;
	s17 =	sor.u32 $0x1C09, s25  }
0xd: {  	s10 =	sshrl.u32 s9, $0x3;
	s15 =	sshrl.u32 s13, $0x1;
	s23 =	sadd.s32 s14, s1  }
0xe: {  	s9 =	sadd.s32 s9, s2;
	s14 =	sadd.s32 s14, s2;
	[dreg:$0x6] =	wrdreg s17  }
0xf: {  	s10 =	sadd.s32 s10, s6;
	s6 =	sadd.s32 $0x29800, s6;
	s11 =	sadd.s32 s12, s11  }
0x10: {  	s22 =	ssub.s32 s13, s15;
	s16 =	sshrl.u32 s7, $0x3;
	s25 =	sshrl.u32 s23, $0x3  }
0x11: {  	s15 =	simm.s32 $0x9;
	s23 =	simm.s32 $0x6800;
	s12 =	simm.s32 $0x2600  }
0x12: {  	s13 =	simm.s32 $0x2680;
	s11 =	sshll.u32 s11, $0x3;
	s26 =	sadd.s32 $0x13800, s16  }
0x13: {  	s10 =	sadd.s32 $0x15C00, s10;
	s16 =	sadd.s32 $0x9C000, s1;
	[dreg:$0xc] =	wrdreg s25  }
0x14: {  	s24 =	sadd.s32 s0, s11;
	[dreg:$0x7] =	wrdreg s10;
	s0 =	sadd.s32 s0, s26  }
0x15: {  	s10 =	smul.u32 $0xA0, s8;
	s11 =	sadd.s32 s6, s11;
	[dreg:$0x5] =	wrdreg s24  }
0x16: {  	s6 =	sadd.s32 s6, s26;
	s26 =	sshrl.u32 s9, $0x3;
	[dreg:$0x8] =	wrdreg s0  }
0x17: {  	s7 =	sshrl.u32 @!p0 s16, $0x3;
	s8 =	simm.s32 $0x6;
	[dreg:$0x9] =	wrdreg s11  }
0x18: {  	s9 =	simm.s32 $0x7;
	s16 =	simm.s32 $0x2780;
	[dreg:$0xa] =	wrdreg s6  }
0x19: {  	s6 =	sadd.s32 $0x9C000, s2;
	s24 =	smax.u32 s22, $0x1;
	[dreg:$0xd] =	wrdreg s26  }
0x1a: {  	[dreg:$0xe] =	wrdreg s7;
	s22 =	simm.s32 $0x100;
	s0 =	sshrl.u32 s14, $0x3  }
0x1b: {  	s26 =	simm.s32 $0x180;
	s11 =	simm.s32 $0x8;
	[dreg:$0xb] =	wrdreg s24  }
0x1c: {  	s14 =	simm.s32 $0x2700;
	[dreg:$0xf] =	wrdreg s0;
	s0 =	sshrl.u32 @!p0 s6, $0x3  }
0x1d: {  	s6 =	simm.s32 $0x5;
	[dreg:$0x10] =	wrdreg s0;
	s0 =	simm.s32 $0x4  }
.LBB2_1:
0x1e: {  	s7 =	rddreg [dreg:$0x5]  }
0x1f: {  	s24 =	rddreg [dreg:$0xc]  }
0x20: {  	[spmem:s24], [sflag:s17] =	dma.local [hbm:s7], $0x1380  }
0x21: {  	_ =	swait.ge [sflag:s15], $0x1380  }
0x22: {  	[sflag:s15] =	ssyncset.done $0x0;
	s24 =	rddreg [dreg:$0x7]  }
0x23: {  	s25 =	rddreg [dreg:$0xd];
	[sflag:s15] =	ssyncadd.s32 $0xFFFFEC80  }
0x24: {  	[spmem:s25], [sflag:s17] =	dma.local [hbm:s24], $0x13C0  }
0x25: {  	_ =	swait.ge [sflag:s15], $0x13C0  }
0x26: {  	[sflag:s15] =	ssyncset.done $0x0;
	s7 =	rddreg [dreg:$0x8]  }
0x27: {  	s24 =	rddreg [dreg:$0xe];
	[sflag:s15] =	ssyncadd.s32 $0xFFFFEC40  }
0x28: {  	[spmem:s24], [sflag:s17] =	dma.local @!p0 [hbm:s7], $0x80  }
0x29: {  	s17 =	simm.s32 @!p0 $0x9  }
0x2a: {  	_ =	swait.ge @!p0 [sflag:s17], $0x80  }
0x2b: {  	[sflag:s17] =	ssyncset.done @!p0 $0x0  }
0x2c: {  	[sflag:s17] =	ssyncadd.s32 @!p0 $0xFFFFFF80  }
0x2d: {  	s17 =	simm.s32 $0x0;
	[bflag:$0x0] =	sbarrier.arrive $0xFFFF  }
.LBB2_2:
0x2e: {  	s24 =	smul.u32 $0x28, s17;
	_ =	sdelay $0x1  }
0x2f: {  	s24 =	sadd.s32 s10, s24  }
0x30: {  	s24 =	sshll.u32 s24, $0x4  }
0x31: {  	s7 =	simm.s32 $0x0;
	s25 =	sadd.s32 s4, s24  }
0x32: {  	[tilespmem:s7], [sflag:$0x9] =	stream.linear.gather [hbm4b:s25+s7], $0x1400, $0x38;
	[tilespmem:$0x1E240] =	vst v63  }
0x33: {  	_ =	swait.ge [sflag:s15], $0x1400  }
0x34: {  	[sflag:s15] =	ssyncset.done $0x0  }
0x35: {  	s24 =	sadd.s32 s5, s24;
	[sflag:s15] =	ssyncadd.s32 $0xFFFFEC00  }
0x36: {  	[tilespmem:s18], [sflag:$0x9] =	stream.linear.gather [hbm4b:s24+s7], $0x1400, $0x38;
	[tilespmem:$0x1E240] =	vst v63  }
0x37: {  	_ =	swait.ge [sflag:s15], $0x1400  }
0x38: {  	[sflag:s15] =	ssyncset.done $0x0  }
0x39: {  	[sflag:s15] =	ssyncadd.s32 $0xFFFFEC00  }
0x3a: {  	[tilespmem:s20], [sflag:$0x1] =	stream.indirect.gather [spmem:s1], $0x40, s7, s19, $0xb8;
	[tilespmem:$0x1E240] =	vst v63  }
0x3b: {  	_ = 	snop  }
0x3c: {  	[tilespmem:s21], [sflag:$0x2] =	stream.indirect.gather [spmem:s1], $0x40, s19, s19, $0xb8;
	[tilespmem:$0x1E240] =	vst v63  }
0x3d: {  	_ = 	snop  }
0x3e: {  	[tilespmem:s23], [sflag:$0x3] =	stream.indirect.gather [spmem:s1], $0x40, s22, s19, $0xb8;
	[tilespmem:$0x1E240] =	vst v63  }
0x3f: {  	_ = 	snop  }
0x40: {  	[tilespmem:s28], [sflag:$0x4] =	stream.indirect.gather [spmem:s1], $0x40, s26, s19, $0xb8;
	[tilespmem:$0x1E240] =	vst v63  }
0x41: {  	_ =	swait.ge [sflag:s29], $0x2000  }
0x42: {  	[sflag:s29] =	ssyncset.done $0x0  }
0x43: {  	s25 =	simm.s32 $0x1400;
	[sflag:s29] =	ssyncadd.s32 $0xFFFFE000  }
0x44: {  	[spmem:s2] =	stream.indirect.scatter.add.f32 [tilespmem:s20], [sflag:$0x5], $0x40, s25, s19, $0xb8;
	[tilespmem:$0x1E240] =	vst v63  }
0x45: {  	_ =	swait.ge [sflag:s30], $0x2000  }
0x46: {  	[sflag:s30] =	ssyncset.done $0x0  }
0x47: {  	s24 =	simm.s32 $0x1480;
	[sflag:s30] =	ssyncadd.s32 $0xFFFFE000  }
0x48: {  	[spmem:s2] =	stream.indirect.scatter.add.f32 [tilespmem:s21], [sflag:$0x6], $0x40, s24, s19, $0xb8;
	[tilespmem:$0x1E240] =	vst v63  }
0x49: {  	_ =	swait.ge [sflag:s31], $0x2000  }
0x4a: {  	[sflag:s31] =	ssyncset.done $0x0  }
0x4b: {  	s25 =	simm.s32 $0x1500;
	[sflag:s31] =	ssyncadd.s32 $0xFFFFE000  }
0x4c: {  	[spmem:s2] =	stream.indirect.scatter.add.f32 [tilespmem:s23], [sflag:$0x7], $0x40, s25, s19, $0xb8;
	[tilespmem:$0x1E240] =	vst v63  }
0x4d: {  	_ =	swait.ge [sflag:s0], $0x2000  }
0x4e: {  	[sflag:s0] =	ssyncset.done $0x0  }
0x4f: {  	s24 =	simm.s32 $0x1580;
	[sflag:s0] =	ssyncadd.s32 $0xFFFFE000  }
0x50: {  	[spmem:s2] =	stream.indirect.scatter.add.f32 [tilespmem:s28], [sflag:$0x8], $0x40, s24, s19, $0xb8;
	[tilespmem:$0x1E240] =	vst v63  }
0x51: {  	_ =	swait.ge [sflag:s6], $0x2000  }
0x52: {  	[sflag:s6] =	ssyncset.done $0x0  }
0x53: {  	s25 =	simm.s32 $0x200;
	[sflag:s6] =	ssyncadd.s32 $0xFFFFE000  }
0x54: {  	[tilespmem:s20], [sflag:$0x1] =	stream.indirect.gather [spmem:s1], $0x40, s25, s19, $0xb8;
	[tilespmem:$0x1E240] =	vst v63  }
0x55: {  	_ =	swait.ge [sflag:s8], $0x2000  }
0x56: {  	[sflag:s8] =	ssyncset.done $0x0  }
0x57: {  	s24 =	simm.s32 $0x280;
	[sflag:s8] =	ssyncadd.s32 $0xFFFFE000  }
0x58: {  	[tilespmem:s21], [sflag:$0x2] =	stream.indirect.gather [spmem:s1], $0x40, s24, s19, $0xb8;
	[tilespmem:$0x1E240] =	vst v63  }
0x59: {  	_ =	swait.ge [sflag:s9], $0x2000  }
0x5a: {  	[sflag:s9] =	ssyncset.done $0x0  }
0x5b: {  	s25 =	simm.s32 $0x300;
	[sflag:s9] =	ssyncadd.s32 $0xFFFFE000  }
0x5c: {  	[tilespmem:s23], [sflag:$0x3] =	stream.indirect.gather [spmem:s1], $0x40, s25, s19, $0xb8;
	[tilespmem:$0x1E240] =	vst v63  }
0x5d: {  	_ =	swait.ge [sflag:s11], $0x2000  }
0x5e: {  	[sflag:s11] =	ssyncset.done $0x0  }
0x5f: {  	s24 =	simm.s32 $0x800;
	s25 =	simm.s32 $0x380;
	[sflag:s11] =	ssyncadd.s32 $0xFFFFE000  }
.LBB2_3:
0x60: {  	[tilespmem:s28], [sflag:$0x4] =	stream.indirect.gather [spmem:s1], $0x40, s25, s19, $0xb8;
	[tilespmem:$0x1E240] =	vst v63  }
0x61: {  	s7 =	smov.u32 s24  }
0x62: {  	p1 =	sne.s32 s24, $0x4000;
	s24 =	sadd.s32 $0x800, s24;
	_ =	swait.ge [sflag:s29], $0x2000  }
0x63: {  	s25 =	sshra.s32 s7, $0x2;
	[sflag:s29] =	ssyncset.done $0x0  }
0x64: {  	s7 =	sadd.s32 $0x1400, s25;
	[sflag:s29] =	ssyncadd.s32 $0xFFFFE000  }
0x65: {  	[spmem:s2] =	stream.indirect.scatter.add.f32 [tilespmem:s20], [sflag:$0x5], $0x40, s7, s19, $0xb8;
	[tilespmem:$0x1E240] =	vst v63  }
0x66: {  	_ =	swait.ge [sflag:s30], $0x2000  }
0x67: {  	[sflag:s30] =	ssyncset.done $0x0  }
0x68: {  	s7 =	sadd.s32 $0x1480, s25;
	[sflag:s30] =	ssyncadd.s32 $0xFFFFE000  }
0x69: {  	[spmem:s2] =	stream.indirect.scatter.add.f32 [tilespmem:s21], [sflag:$0x6], $0x40, s7, s19, $0xb8;
	[tilespmem:$0x1E240] =	vst v63  }
0x6a: {  	_ =	swait.ge [sflag:s31], $0x2000  }
0x6b: {  	[sflag:s31] =	ssyncset.done $0x0  }
0x6c: {  	s7 =	sadd.s32 $0x1500, s25;
	[sflag:s31] =	ssyncadd.s32 $0xFFFFE000  }
0x6d: {  	[spmem:s2] =	stream.indirect.scatter.add.f32 [tilespmem:s23], [sflag:$0x7], $0x40, s7, s19, $0xb8;
	[tilespmem:$0x1E240] =	vst v63  }
0x6e: {  	_ =	swait.ge [sflag:s0], $0x2000  }
0x6f: {  	[sflag:s0] =	ssyncset.done $0x0  }
0x70: {  	s7 =	sadd.s32 $0x1580, s25;
	[sflag:s0] =	ssyncadd.s32 $0xFFFFE000  }
0x71: {  	[spmem:s2] =	stream.indirect.scatter.add.f32 [tilespmem:s28], [sflag:$0x8], $0x40, s7, s19, $0xb8;
	[tilespmem:$0x1E240] =	vst v63  }
0x72: {  	_ =	swait.ge [sflag:s6], $0x2000  }
0x73: {  	[sflag:s6] =	ssyncset.done $0x0  }
0x74: {  	s7 =	sadd.s32 $0x200, s25;
	[sflag:s6] =	ssyncadd.s32 $0xFFFFE000  }
0x75: {  	[tilespmem:s20], [sflag:$0x1] =	stream.indirect.gather [spmem:s1], $0x40, s7, s19, $0xb8;
	[tilespmem:$0x1E240] =	vst v63  }
0x76: {  	_ =	swait.ge [sflag:s8], $0x2000  }
0x77: {  	[sflag:s8] =	ssyncset.done $0x0  }
0x78: {  	s7 =	sadd.s32 $0x280, s25;
	[sflag:s8] =	ssyncadd.s32 $0xFFFFE000  }
0x79: {  	[tilespmem:s21], [sflag:$0x2] =	stream.indirect.gather [spmem:s1], $0x40, s7, s19, $0xb8;
	[tilespmem:$0x1E240] =	vst v63  }
0x7a: {  	_ =	swait.ge [sflag:s9], $0x2000  }
0x7b: {  	[sflag:s9] =	ssyncset.done $0x0  }
.Ltmp0:
0x7c: {  	s7 =	sadd.s32 $0x300, s25;
	[sflag:s9] =	ssyncadd.s32 $0xFFFFE000;
	(pc) =	sbr.rel @p1 .LBB2_3-.Ltmp0, $4  }
0x7d: {  	[tilespmem:s23], [sflag:$0x3] =	stream.indirect.gather [spmem:s1], $0x40, s7, s19, $0xb8;
	[tilespmem:$0x1E240] =	vst v63  }
0x7e: {  	_ =	swait.ge [sflag:s11], $0x2000  }
0x7f: {  	[sflag:s11] =	ssyncset.done $0x0  }
0x80: {  	s25 =	sadd.s32 $0x380, s25;
	[sflag:s11] =	ssyncadd.s32 $0xFFFFE000  }
0x81: {  	[tilespmem:s28], [sflag:$0x4] =	stream.indirect.gather [spmem:s1], $0x40, s25, s19, $0xb8;
	[tilespmem:$0x1E240] =	vst v63  }
0x82: {  	_ =	swait.ge [sflag:s29], $0x2000  }
0x83: {  	[sflag:s29] =	ssyncset.done $0x0  }
0x84: {  	[sflag:s29] =	ssyncadd.s32 $0xFFFFE000  }
0x85: {  	[spmem:s2] =	stream.indirect.scatter.add.f32 [tilespmem:s20], [sflag:$0x5], $0x40, s12, s19, $0xb8;
	[tilespmem:$0x1E240] =	vst v63  }
0x86: {  	_ =	swait.ge [sflag:s30], $0x2000  }
0x87: {  	[sflag:s30] =	ssyncset.done $0x0  }
0x88: {  	[sflag:s30] =	ssyncadd.s32 $0xFFFFE000  }
0x89: {  	[spmem:s2] =	stream.indirect.scatter.add.f32 [tilespmem:s21], [sflag:$0x6], $0x40, s13, s19, $0xb8;
	[tilespmem:$0x1E240] =	vst v63  }
0x8a: {  	_ =	swait.ge [sflag:s31], $0x2000  }
0x8b: {  	[sflag:s31] =	ssyncset.done $0x0  }
0x8c: {  	[sflag:s31] =	ssyncadd.s32 $0xFFFFE000  }
0x8d: {  	[spmem:s2] =	stream.indirect.scatter.add.f32 [tilespmem:s23], [sflag:$0x7], $0x40, s14, s19, $0xb8;
	[tilespmem:$0x1E240] =	vst v63  }
0x8e: {  	_ =	swait.ge [sflag:s0], $0x2000  }
0x8f: {  	[sflag:s0] =	ssyncset.done $0x0  }
0x90: {  	[sflag:s0] =	ssyncadd.s32 $0xFFFFE000  }
0x91: {  	[spmem:s2] =	stream.indirect.scatter.add.f32 [tilespmem:s28], [sflag:$0x8], $0x40, s16, s19, $0xb8;
	[tilespmem:$0x1E240] =	vst v63  }
0x92: {  	_ =	swait.ge [sflag:s6], $0x2000  }
0x93: {  	[sflag:s6] =	ssyncset.done $0x0  }
0x94: {  	[sflag:s6] =	ssyncadd.s32 $0xFFFFE000  }
0x95: {  	_ =	swait.ge [sflag:s8], $0x2000  }
0x96: {  	[sflag:s8] =	ssyncset.done $0x0  }
0x97: {  	s17 =	sadd.s32 $0x1, s17;
	[sflag:s8] =	ssyncadd.s32 $0xFFFFE000  }
0x98: {  	p1 =	sne.s32 s17, $0x4;
	_ =	swait.ge [sflag:s9], $0x2000  }
.Ltmp1:
0x99: {  	[sflag:s9] =	ssyncset.done $0x0;
	(pc) =	sbr.rel @p1 .LBB2_2-.Ltmp1, $4  }
0x9a: {  	[sflag:s9] =	ssyncadd.s32 $0xFFFFE000  }
0x9b: {  	_ =	swait.ge [sflag:s11], $0x2000  }
0x9c: {  	[sflag:s11] =	ssyncset.done $0x0  }
0x9d: {  	[sflag:s11] =	ssyncadd.s32 $0xFFFFE000  }
0x9e: {  	[bflag:$0x0] =	sbarrier.arrive $0xFFFF  }
0x9f: {  	s17 =	rddreg [dreg:$0x6]  }
0xa0: {  	s7 =	rddreg [dreg:$0x9]  }
0xa1: {  	s24 =	rddreg [dreg:$0xf]  }
0xa2: {  	[hbm:s7], [sflag:s17] =	dma.local [spmem:s24], $0x1380  }
0xa3: {  	_ =	swait.ge [sflag:s15], $0x1380  }
0xa4: {  	[sflag:s15] =	ssyncset.done $0x0;
	s7 =	rddreg [dreg:$0xa]  }
0xa5: {  	s24 =	rddreg [dreg:$0x10];
	[sflag:s15] =	ssyncadd.s32 $0xFFFFEC80  }
0xa6: {  	[hbm:s7], [sflag:s17] =	dma.local @!p0 [spmem:s24], $0x80  }
0xa7: {  	s7 =	simm.s32 @!p0 $0x9  }
0xa8: {  	_ =	swait.ge @!p0 [sflag:s7], $0x80  }
0xa9: {  	s3 =	sadd.s32 $0x1, s3;
	s25 =	rddreg [dreg:$0xb]  }
0xaa: {  	p1 =	sne.s32 s3, s25  }
.Ltmp2:
0xab: {  	_ = 	snop;
	(pc) =	sbr.rel @p1 .LBB2_1-.Ltmp2, $3  }
0xac: {  	_ =	sdelay $0x1  }
0xad: {  	[sflag:s7] =	ssyncset.done @!p0 $0x0  }
0xae: {  	[sflag:s7] =	ssyncadd.s32 @!p0 $0xFFFFFF80  }
0xaf: {  	_ =	sfence.sel $0x180000  }
0xb0: {  	[bflag:$0x0] =	sbarrier.arrive $0xFFFF  }
0xb1: {  	_ =	strace $0x90000047  }
0xb2: {  	[bflag:$0x2] =	sbarrier.arrive $0xFFFF  }
0xb3: {  	s0 =	rddreg [dreg:$0x4]  }
0xb4: {  	s0 =	sadd.s32 @!p0 $0x100000, s0  }
0xb5: {  	[sflag:s0] =	ssyncadd.tile.s32 @!p0 $0x1;
	_ =	shalt  }
.Lfunc_end2:
_tile_overlayer_lowered:
.L_overlay_start_2:
0xb6: {  	(tag) =	ssettag $0x2  }
0xb7: {  	s0 =	rddreg [dreg:$0x0];
	s2 =	stileid.u32  }
0xb8: {  	s1 =	rddreg [dreg:$0x1];
	p0 =	sne.s32 s2, $0x0  }
0xb9: {  	s3 =	rddreg [dreg:$0x2];
	[bflag:$0x3] =	sbarrier.arrive $0xFFFF;
	s2 =	simm.s32 @!p0 $0x1C09  }
0xba: {  	[timem:s3], [sflag:s2] =	dma.local @!p0 [hbm:s0], s1  }
0xbb: {  	s0 =	simm.s32 @!p0 $0x9  }
0xbc: {  	_ =	swait.ge @!p0 [sflag:s0], s1  }
0xbd: {  	s1 =	ssub.s32 @!p0 $0x0, s1;
	[sflag:s0] =	ssyncset.done @!p0 $0x0  }
0xbe: {  	[sflag:s0] =	ssyncadd.s32 @!p0 s1  }
0xbf: {  	[bflag:$0x3] =	sbarrier.arrive $0xFFFF  }
0xc0: {  	_ =	shalt  }

</sc_bundles>
